<compile_context>
chip_gen: v7x
topology: tpu7x:2x2x1
jax: 0.10.2.dev20260603
libtpu: 0.0.44.dev20260713+nightly
codegen_flags: <defaults>
</compile_context>

<pallas_src>
import functools

import jax
import jax.numpy as jnp
from jax import lax
from jax.experimental import pallas as pl
from jax.experimental.pallas import tpu as pltpu
from jax.experimental.pallas import tpu_sc as plsc

ROWS = 128
N = 32768
KK = 256
L = 16
NCHUNK = N // L
NWORKERS = 32
ROWS_PER_W = ROWS // NWORKERS
FBINS = 1024
NGROUPS = FBINS // L

MIN32 = -(2 ** 31)
M7F = 0x7FFFFFFF
LOW22 = 0x3FFFFF


def _key_of(v):
    b = lax.bitcast_convert_type(v, jnp.int32)
    return b ^ ((b >> 31) & M7F)


def _topk_body(x_hbm, out_hbm, row_v, fine_v, gsum_v, ck_v, ci_v):
    cid = lax.axis_index("c")
    sid = lax.axis_index("s")
    wid = sid * 2 + cid

    zeros16 = jnp.zeros((L,), jnp.int32)
    ones16 = jnp.ones((L,), jnp.int32)
    iota16 = lax.iota(jnp.int32, L)
    lane_off = iota16 * FBINS
    lane15 = iota16 == (L - 1)

    def per_row(r, _carry):
        row = wid * ROWS_PER_W + r
        pltpu.sync_copy(x_hbm.at[row], row_v)

        @plsc.parallel_loop(0, FBINS, unroll=8)
        def _clear(i):
            fine_v[pl.ds(pl.multiple_of(i * L, L), L)] = zeros16

        @plsc.parallel_loop(0, NCHUNK, unroll=8)
        def _hist(i):
            v = row_v[pl.ds(pl.multiple_of(i * L, L), L)]
            b = lax.bitcast_convert_type(v, jnp.int32)
            ux = b ^ ((b >> 31) | MIN32)
            ubin = (ux >> 22) & (FBINS - 1)
            plsc.addupdate_scatter(fine_v, [lane_off + ubin], ones16)

        @plsc.parallel_loop(0, NGROUPS, unroll=2)
        def _gsum(g):
            base = g * L
            vec = fine_v[pl.ds(pl.multiple_of(base, L), L)]
            for l in range(1, L):
                vec = vec + fine_v[pl.ds(pl.multiple_of(l * FBINS + base, L), L)]
            cum = plsc.cumsum(vec)
            gidx = jnp.full((L,), g, jnp.int32)
            plsc.store_scatter(gsum_v, [gidx], cum, mask=lane15)

        gvecs = [gsum_v[pl.ds(k * L, L)] for k in range(NGROUPS // L)]
        sufs = [jnp.flip(plsc.cumsum(jnp.flip(g, 0)), 0) for g in gvecs]
        tots = [s[0] for s in sufs]
        cnt_g = zeros16
        hi = jnp.int32(0)
        for k in range(NGROUPS // L - 1, -1, -1):
            cnt_g = cnt_g + plsc.all_reduce_population_count((sufs[k] + hi) >= KK)
            hi = hi + tots[k]
        gstar = jnp.max(cnt_g) - 1
        acc_above = jnp.int32(0)
        for k in range(NGROUPS // L):
            acc_above = acc_above + jnp.sum(
                jnp.where((k * L + iota16) > gstar, gvecs[k], 0))

        base = gstar * L
        vec = fine_v[pl.ds(pl.multiple_of(base, L), L)]
        for l in range(1, L):
            vec = vec + fine_v[pl.ds(pl.multiple_of(l * FBINS + base, L), L)]
        suf = jnp.flip(plsc.cumsum(jnp.flip(vec, 0)), 0)
        cond = (acc_above + suf) >= KK
        cntv = plsc.all_reduce_population_count(cond)
        posv = cntv - 1
        b1v = gstar * L + posv
        count_above = acc_above + jnp.sum(jnp.where(iota16 > posv, vec, 0))
        k_rem = jnp.int32(KK) - count_above
        b1s = gstar * L + jnp.max(cntv) - 1

        @plsc.parallel_loop(0, NCHUNK, unroll=8, carry=zeros16)
        def _comp(i, nc_vec):
            v = row_v[pl.ds(pl.multiple_of(i * L, L), L)]
            b = lax.bitcast_convert_type(v, jnp.int32)
            ux = b ^ ((b >> 31) | MIN32)
            ubin = (ux >> 22) & (FBINS - 1)
            m = ubin == b1v
            pref = plsc.cumsum(m.astype(jnp.int32))
            pos = nc_vec + pref - 1
            plsc.store_scatter(ck_v, [pos], ux & LOW22, mask=m)
            plsc.store_scatter(ci_v, [pos], i * L + iota16, mask=m)
            return nc_vec + plsc.all_reduce_population_count(m)

        nc = jnp.max(_comp)
        nch = (nc + (L - 1)) // L

        def refine(bi, prefix):
            bit = jnp.int32(21) - bi
            cand = prefix | (jnp.int32(1) << bit)

            def cnt_chunk(j, cnt_v):
                low = ck_v[pl.ds(pl.multiple_of(j * L, L), L)]
                valid = (j * L + iota16) < nc
                m = jnp.logical_and(low >= cand, valid)
                return cnt_v + plsc.all_reduce_population_count(m)

            cnt = jnp.max(lax.fori_loop(0, nch, cnt_chunk, zeros16))
            return jnp.where(cnt >= k_rem, cand, prefix)

        prefix = lax.fori_loop(0, 22, refine, jnp.int32(0))

        def gt_chunk(j, cnt_v):
            low = ck_v[pl.ds(pl.multiple_of(j * L, L), L)]
            valid = (j * L + iota16) < nc
            m = jnp.logical_and(low > prefix, valid)
            return cnt_v + plsc.all_reduce_population_count(m)

        c_gt = jnp.max(lax.fori_loop(0, nch, gt_chunk, zeros16))
        ties_needed = k_rem - c_gt

        t_u = (b1s << 22) | prefix
        t_s = t_u ^ MIN32
        tb_vec = jnp.full((L,), t_s, jnp.int32)
        tb_vec = tb_vec ^ ((tb_vec >> 31) & M7F)
        t_f_vec = lax.bitcast_convert_type(tb_vec, jnp.float32)
        t_f = t_f_vec[0]

        @plsc.parallel_loop(0, NCHUNK, unroll=8)
        def _outp(i):
            sl = pl.ds(pl.multiple_of(i * L, L), L)
            v = row_v[sl]
            row_v[sl] = jnp.where(v >= t_f, v, jnp.float32(0.0))

        def fixup(j, seq_vec):
            sl = pl.ds(pl.multiple_of(j * L, L), L)
            low = ck_v[sl]
            idx = ci_v[sl]
            valid = (j * L + iota16) < nc
            m_eq = jnp.logical_and(low == prefix, valid)
            pref = plsc.cumsum(m_eq.astype(jnp.int32))
            drop = jnp.logical_and(m_eq, (seq_vec + pref) > ties_needed)
            plsc.store_scatter(row_v, [idx], jnp.zeros((L,), jnp.float32),
                               mask=drop)
            return seq_vec + plsc.all_reduce_population_count(m_eq)

        lax.fori_loop(0, nch, fixup, zeros16)

        pltpu.sync_copy(row_v, out_hbm.at[row])
        return _carry

    lax.fori_loop(0, ROWS_PER_W, per_row, 0)


@functools.partial(
    pl.kernel,
    out_type=jax.ShapeDtypeStruct((ROWS, N), jnp.float32),
    mesh=plsc.VectorSubcoreMesh(core_axis_name="c", subcore_axis_name="s"),
    compiler_params=pltpu.CompilerParams(needs_layout_passes=False),
    scratch_types=[
        pltpu.VMEM((N,), jnp.float32),
        pltpu.VMEM((L * FBINS,), jnp.int32),
        pltpu.VMEM((NGROUPS,), jnp.int32),
        pltpu.VMEM((N,), jnp.int32),
        pltpu.VMEM((N,), jnp.int32),
    ],
)
def _topk_sc(x_hbm, out_hbm, row_v, fine_v, gsum_v, ck_v, ci_v):
    _topk_body(x_hbm, out_hbm, row_v, fine_v, gsum_v, ck_v, ci_v)


def kernel(x):
    return _topk_sc(x)

# --- scband reference (transcript-rebuilt; emitter-appended) ---
"""Pipeline reference for scband-top-k-18047452577798 (READ-ONLY COPY).

The authoritative reference and input builder live on the scoring server;
editing this copy changes nothing except your own understanding.
"""

import jax, jax.numpy as jnp
import numpy as np

K = 256

def setup_inputs(seed: int = 0) -> dict:
    key = jax.random.key(seed)
    x = jax.random.normal(key, (128, 32768), dtype=jnp.float32)
    return {"x": x}

def reference(x):
    # TopK module: use_abs=False, act_fn=Identity
    k = min(K, x.shape[-1])
    values = x  # use_abs=False
    _, indices = jax.lax.top_k(values, k)
    top_values = jnp.take_along_axis(x, indices, axis=-1)
    activated_values = top_values  # act_fn = Identity
    rows = jnp.arange(x.shape[0])[:, None]
    result = jnp.zeros_like(x).at[rows, indices].set(activated_values)
    return result

if __name__ == "__main__":
    import jax
    _d = setup_inputs()
    print(jax.jit(kernel)(*tuple(_d.values())))

</pallas_src>

<mosaic_0001>
#map = affine_map<(d0, d1) -> (0, 0)>
module attributes {stable_mosaic.version = 14 : i64} {
  func.func @_topk_sc(%arg0: i32, %arg1: i32, %arg2: memref<128x32768xf32, #tpu.memory_space<hbm>>, %arg3: memref<128x32768xf32, #tpu.memory_space<hbm>>, %arg4: memref<32768xf32, #tpu.memory_space<vmem>>, %arg5: memref<16384xi32, #tpu.memory_space<vmem>>, %arg6: memref<64xi32, #tpu.memory_space<vmem>>, %arg7: memref<32768xi32, #tpu.memory_space<vmem>>, %arg8: memref<32768xi32, #tpu.memory_space<vmem>>) attributes {dimension_semantics = [#tpu.dimension_semantics<core_parallel>, #tpu.dimension_semantics<subcore_parallel>], iteration_bounds = array<i64: 2, 16>, scalar_prefetch = 0 : i64, scratch_operands = 5 : i64, tpu.core_type = #tpu.core_type<sc_vector_subcore>, window_params = [{transform_indices = #map}, {transform_indices = #map}]} {
    %mul3A = arith.constant 2 : i32
    %mul3A_0 = arith.muli %arg1, %mul3A : i32
    %add3A = arith.addi %mul3A_0, %arg0 : i32
    %broadcast_in_dim3A = arith.constant 0 : i32
    %broadcast_in_dim3A_1 = vector.broadcast %broadcast_in_dim3A : i32 to vector<16xi32>
    %broadcast_in_dim3A_2 = arith.constant 1 : i32
    %broadcast_in_dim3A_3 = vector.broadcast %broadcast_in_dim3A_2 : i32 to vector<16xi32>
    %iota3A = tpu.iota {dimensions = array<i32: 0>} : vector<16xi32>
    %mul3A_4 = arith.constant 1024 : i32
    %mul3A_5 = vector.broadcast %mul3A_4 : i32 to vector<16xi32>
    %mul3A_6 = arith.muli %iota3A, %mul3A_5 : vector<16xi32>
    %eq3A = arith.constant 15 : i32
    %eq3A_7 = vector.broadcast %eq3A : i32 to vector<16xi32>
    %eq3A_8 = arith.cmpi eq, %iota3A, %eq3A_7 : vector<16xi32>
    %scan3A = arith.constant 0 : i32
    %scan3A_9 = arith.constant 0 : i32
    %scan3A_10 = arith.constant 4 : i32
    %scan3A_11 = arith.addi %scan3A_9, %scan3A_10 : i32
    %scan3A_12 = arith.constant 1 : i32
    scf.for %scan3A_14 = %scan3A_9 to %scan3A_11 step %scan3A_12  : i32 {
      %mul3A_15 = arith.constant 4 : i32
      %mul3A_16 = arith.muli %add3A, %mul3A_15 : i32
      %add3A_17 = arith.addi %mul3A_16, %scan3A_14 : i32
      "tpu.region"() ({
        %run_scoped3A = tpu.sem_alloc : memref<!tpu.dma_semaphore, #tpu.memory_space<semaphore_mem>>
        %dma_start3A = arith.constant 0 : i32
        %dma_start3A_406 = tpu.memref_slice %arg2[%add3A_17, %dma_start3A] : memref<128x32768xf32, #tpu.memory_space<hbm>> -> memref<1x32768xf32, #tpu.memory_space<hbm>>
        %dma_start3A_407 = tpu.memref_squeeze %dma_start3A_406 : memref<1x32768xf32, #tpu.memory_space<hbm>> -> memref<32768xf32, #tpu.memory_space<hbm>>
        %dma_start3A_408 = arith.constant 0 : i32
        %dma_start3A_409 = tpu.memref_slice %arg2[%add3A_17, %dma_start3A_408] : memref<128x32768xf32, #tpu.memory_space<hbm>> -> memref<1x32768xf32, #tpu.memory_space<hbm>>
        %dma_start3A_410 = tpu.memref_squeeze %dma_start3A_409 : memref<1x32768xf32, #tpu.memory_space<hbm>> -> memref<32768xf32, #tpu.memory_space<hbm>>
        tpu.enqueue_dma source(%dma_start3A_410 : memref<32768xf32, #tpu.memory_space<hbm>>) target(%arg4 : memref<32768xf32, #tpu.memory_space<vmem>>) target_semaphore(%run_scoped3A : memref<!tpu.dma_semaphore, #tpu.memory_space<semaphore_mem>>)
        %dma_wait3A = arith.constant 0 : i32
        %dma_wait3A_411 = tpu.memref_slice %arg2[%add3A_17, %dma_wait3A] : memref<128x32768xf32, #tpu.memory_space<hbm>> -> memref<1x32768xf32, #tpu.memory_space<hbm>>
        %dma_wait3A_412 = tpu.memref_squeeze %dma_wait3A_411 : memref<1x32768xf32, #tpu.memory_space<hbm>> -> memref<32768xf32, #tpu.memory_space<hbm>>
        %dma_wait3A_413 = arith.constant 0 : i32
        %dma_wait3A_414 = tpu.memref_slice %arg2[%add3A_17, %dma_wait3A_413] : memref<128x32768xf32, #tpu.memory_space<hbm>> -> memref<1x32768xf32, #tpu.memory_space<hbm>>
        %dma_wait3A_415 = tpu.memref_squeeze %dma_wait3A_414 : memref<1x32768xf32, #tpu.memory_space<hbm>> -> memref<32768xf32, #tpu.memory_space<hbm>>
        tpu.wait_dma2 semaphore(%run_scoped3A : memref<!tpu.dma_semaphore, #tpu.memory_space<semaphore_mem>>) src(%dma_wait3A_415 : memref<32768xf32, #tpu.memory_space<hbm>>) dst(%arg4 : memref<32768xf32, #tpu.memory_space<vmem>>)
        tpu.yield
      }) : () -> ()
      %parallel_loop3A = arith.constant 0 : i32
      %parallel_loop3A_18 = arith.constant 1024 : i32
      %parallel_loop3A_19 = arith.constant 1 : i32
      scf.for %parallel_loop3A_406 = %parallel_loop3A to %parallel_loop3A_18 step %parallel_loop3A_19  : i32 {
        %parallel_loop3A_407 = arith.constant 16 : i32
        %parallel_loop3A_408 = arith.muli %parallel_loop3A_406, %parallel_loop3A_407 : i32
        %parallel_loop3A_409 = tpu.assume_multiple %parallel_loop3A_408, 16 : i32
        %parallel_loop3A_410 = arith.index_cast %parallel_loop3A_409 : i32 to index
        %parallel_loop3A_411 = tpu.vector_load %arg5[%parallel_loop3A_410] {strides = array<i32>} : memref<16384xi32, #tpu.memory_space<vmem>>, vector<16xi32>,
        tpu.vector_store %arg5[%parallel_loop3A_410], %broadcast_in_dim3A_1 {strides = array<i32>} : memref<16384xi32, #tpu.memory_space<vmem>>, vector<16xi32>,
      } {sc.loop_unroll_factor = 8 : i64, sc.parallel_access}
      %parallel_loop3A_20 = arith.constant 0 : i32
      %parallel_loop3A_21 = arith.constant 2048 : i32
      %parallel_loop3A_22 = arith.constant 1 : i32
      scf.for %parallel_loop3A_406 = %parallel_loop3A_20 to %parallel_loop3A_21 step %parallel_loop3A_22  : i32 {
        %parallel_loop3A_407 = arith.constant 16 : i32
        %parallel_loop3A_408 = arith.muli %parallel_loop3A_406, %parallel_loop3A_407 : i32
        %parallel_loop3A_409 = tpu.assume_multiple %parallel_loop3A_408, 16 : i32
        %parallel_loop3A_410 = arith.index_cast %parallel_loop3A_409 : i32 to index
        %parallel_loop3A_411 = tpu.vector_load %arg4[%parallel_loop3A_410] {strides = array<i32>} : memref<32768xf32, #tpu.memory_space<vmem>>, vector<16xf32>,
        %parallel_loop3A_412 = tpu.bitcast %parallel_loop3A_411 : vector<16xf32> -> vector<16xi32>
        %parallel_loop3A_413 = arith.constant 31 : i32
        %parallel_loop3A_414 = vector.broadcast %parallel_loop3A_413 : i32 to vector<16xi32>
        %parallel_loop3A_415 = arith.shrsi %parallel_loop3A_412, %parallel_loop3A_414 : vector<16xi32>
        %parallel_loop3A_416 = arith.constant -2147483648 : i32
        %parallel_loop3A_417 = vector.broadcast %parallel_loop3A_416 : i32 to vector<16xi32>
        %parallel_loop3A_418 = arith.ori %parallel_loop3A_415, %parallel_loop3A_417 : vector<16xi32>
        %parallel_loop3A_419 = arith.xori %parallel_loop3A_412, %parallel_loop3A_418 : vector<16xi32>
        %parallel_loop3A_420 = arith.constant 22 : i32
        %parallel_loop3A_421 = vector.broadcast %parallel_loop3A_420 : i32 to vector<16xi32>
        %parallel_loop3A_422 = arith.shrsi %parallel_loop3A_419, %parallel_loop3A_421 : vector<16xi32>
        %parallel_loop3A_423 = arith.constant 1023 : i32
        %parallel_loop3A_424 = vector.broadcast %parallel_loop3A_423 : i32 to vector<16xi32>
        %parallel_loop3A_425 = arith.andi %parallel_loop3A_422, %parallel_loop3A_424 : vector<16xi32>
        %parallel_loop3A_426 = arith.addi %mul3A_6, %parallel_loop3A_425 : vector<16xi32>
        tpu.vector_store_idx %arg5[%parallel_loop3A_426], %broadcast_in_dim3A_3 {add = true} : memref<16384xi32, #tpu.memory_space<vmem>>[vector<16xi32>], vector<16xi32>,
      } {sc.loop_unroll_factor = 8 : i64, sc.parallel_access}
      %parallel_loop3A_23 = arith.constant 0 : i32
      %parallel_loop3A_24 = arith.constant 64 : i32
      %parallel_loop3A_25 = arith.constant 1 : i32
      scf.for %parallel_loop3A_406 = %parallel_loop3A_23 to %parallel_loop3A_24 step %parallel_loop3A_25  : i32 {
        %parallel_loop3A_407 = arith.constant 16 : i32
        %parallel_loop3A_408 = arith.muli %parallel_loop3A_406, %parallel_loop3A_407 : i32
        %parallel_loop3A_409 = tpu.assume_multiple %parallel_loop3A_408, 16 : i32
        %parallel_loop3A_410 = arith.index_cast %parallel_loop3A_409 : i32 to index
        %parallel_loop3A_411 = tpu.vector_load %arg5[%parallel_loop3A_410] {strides = array<i32>} : memref<16384xi32, #tpu.memory_space<vmem>>, vector<16xi32>,
        %parallel_loop3A_412 = arith.constant 1024 : i32
        %parallel_loop3A_413 = arith.addi %parallel_loop3A_412, %parallel_loop3A_408 : i32
        %parallel_loop3A_414 = tpu.assume_multiple %parallel_loop3A_413, 16 : i32
        %parallel_loop3A_415 = arith.index_cast %parallel_loop3A_414 : i32 to index
        %parallel_loop3A_416 = tpu.vector_load %arg5[%parallel_loop3A_415] {strides = array<i32>} : memref<16384xi32, #tpu.memory_space<vmem>>, vector<16xi32>,
        %parallel_loop3A_417 = arith.addi %parallel_loop3A_411, %parallel_loop3A_416 : vector<16xi32>
        %parallel_loop3A_418 = arith.constant 2048 : i32
        %parallel_loop3A_419 = arith.addi %parallel_loop3A_418, %parallel_loop3A_408 : i32
        %parallel_loop3A_420 = tpu.assume_multiple %parallel_loop3A_419, 16 : i32
        %parallel_loop3A_421 = arith.index_cast %parallel_loop3A_420 : i32 to index
        %parallel_loop3A_422 = tpu.vector_load %arg5[%parallel_loop3A_421] {strides = array<i32>} : memref<16384xi32, #tpu.memory_space<vmem>>, vector<16xi32>,
        %parallel_loop3A_423 = arith.addi %parallel_loop3A_417, %parallel_loop3A_422 : vector<16xi32>
        %parallel_loop3A_424 = arith.constant 3072 : i32
        %parallel_loop3A_425 = arith.addi %parallel_loop3A_424, %parallel_loop3A_408 : i32
        %parallel_loop3A_426 = tpu.assume_multiple %parallel_loop3A_425, 16 : i32
        %parallel_loop3A_427 = arith.index_cast %parallel_loop3A_426 : i32 to index
        %parallel_loop3A_428 = tpu.vector_load %arg5[%parallel_loop3A_427] {strides = array<i32>} : memref<16384xi32, #tpu.memory_space<vmem>>, vector<16xi32>,
        %parallel_loop3A_429 = arith.addi %parallel_loop3A_423, %parallel_loop3A_428 : vector<16xi32>
        %parallel_loop3A_430 = arith.constant 4096 : i32
        %parallel_loop3A_431 = arith.addi %parallel_loop3A_430, %parallel_loop3A_408 : i32
        %parallel_loop3A_432 = tpu.assume_multiple %parallel_loop3A_431, 16 : i32
        %parallel_loop3A_433 = arith.index_cast %parallel_loop3A_432 : i32 to index
        %parallel_loop3A_434 = tpu.vector_load %arg5[%parallel_loop3A_433] {strides = array<i32>} : memref<16384xi32, #tpu.memory_space<vmem>>, vector<16xi32>,
        %parallel_loop3A_435 = arith.addi %parallel_loop3A_429, %parallel_loop3A_434 : vector<16xi32>
        %parallel_loop3A_436 = arith.constant 5120 : i32
        %parallel_loop3A_437 = arith.addi %parallel_loop3A_436, %parallel_loop3A_408 : i32
        %parallel_loop3A_438 = tpu.assume_multiple %parallel_loop3A_437, 16 : i32
        %parallel_loop3A_439 = arith.index_cast %parallel_loop3A_438 : i32 to index
        %parallel_loop3A_440 = tpu.vector_load %arg5[%parallel_loop3A_439] {strides = array<i32>} : memref<16384xi32, #tpu.memory_space<vmem>>, vector<16xi32>,
        %parallel_loop3A_441 = arith.addi %parallel_loop3A_435, %parallel_loop3A_440 : vector<16xi32>
        %parallel_loop3A_442 = arith.constant 6144 : i32
        %parallel_loop3A_443 = arith.addi %parallel_loop3A_442, %parallel_loop3A_408 : i32
        %parallel_loop3A_444 = tpu.assume_multiple %parallel_loop3A_443, 16 : i32
        %parallel_loop3A_445 = arith.index_cast %parallel_loop3A_444 : i32 to index
        %parallel_loop3A_446 = tpu.vector_load %arg5[%parallel_loop3A_445] {strides = array<i32>} : memref<16384xi32, #tpu.memory_space<vmem>>, vector<16xi32>,
        %parallel_loop3A_447 = arith.addi %parallel_loop3A_441, %parallel_loop3A_446 : vector<16xi32>
        %parallel_loop3A_448 = arith.constant 7168 : i32
        %parallel_loop3A_449 = arith.addi %parallel_loop3A_448, %parallel_loop3A_408 : i32
        %parallel_loop3A_450 = tpu.assume_multiple %parallel_loop3A_449, 16 : i32
        %parallel_loop3A_451 = arith.index_cast %parallel_loop3A_450 : i32 to index
        %parallel_loop3A_452 = tpu.vector_load %arg5[%parallel_loop3A_451] {strides = array<i32>} : memref<16384xi32, #tpu.memory_space<vmem>>, vector<16xi32>,
        %parallel_loop3A_453 = arith.addi %parallel_loop3A_447, %parallel_loop3A_452 : vector<16xi32>
        %parallel_loop3A_454 = arith.constant 8192 : i32
        %parallel_loop3A_455 = arith.addi %parallel_loop3A_454, %parallel_loop3A_408 : i32
        %parallel_loop3A_456 = tpu.assume_multiple %parallel_loop3A_455, 16 : i32
        %parallel_loop3A_457 = arith.index_cast %parallel_loop3A_456 : i32 to index
        %parallel_loop3A_458 = tpu.vector_load %arg5[%parallel_loop3A_457] {strides = array<i32>} : memref<16384xi32, #tpu.memory_space<vmem>>, vector<16xi32>,
        %parallel_loop3A_459 = arith.addi %parallel_loop3A_453, %parallel_loop3A_458 : vector<16xi32>
        %parallel_loop3A_460 = arith.constant 9216 : i32
        %parallel_loop3A_461 = arith.addi %parallel_loop3A_460, %parallel_loop3A_408 : i32
        %parallel_loop3A_462 = tpu.assume_multiple %parallel_loop3A_461, 16 : i32
        %parallel_loop3A_463 = arith.index_cast %parallel_loop3A_462 : i32 to index
        %parallel_loop3A_464 = tpu.vector_load %arg5[%parallel_loop3A_463] {strides = array<i32>} : memref<16384xi32, #tpu.memory_space<vmem>>, vector<16xi32>,
        %parallel_loop3A_465 = arith.addi %parallel_loop3A_459, %parallel_loop3A_464 : vector<16xi32>
        %parallel_loop3A_466 = arith.constant 10240 : i32
        %parallel_loop3A_467 = arith.addi %parallel_loop3A_466, %parallel_loop3A_408 : i32
        %parallel_loop3A_468 = tpu.assume_multiple %parallel_loop3A_467, 16 : i32
        %parallel_loop3A_469 = arith.index_cast %parallel_loop3A_468 : i32 to index
        %parallel_loop3A_470 = tpu.vector_load %arg5[%parallel_loop3A_469] {strides = array<i32>} : memref<16384xi32, #tpu.memory_space<vmem>>, vector<16xi32>,
        %parallel_loop3A_471 = arith.addi %parallel_loop3A_465, %parallel_loop3A_470 : vector<16xi32>
        %parallel_loop3A_472 = arith.constant 11264 : i32
        %parallel_loop3A_473 = arith.addi %parallel_loop3A_472, %parallel_loop3A_408 : i32
        %parallel_loop3A_474 = tpu.assume_multiple %parallel_loop3A_473, 16 : i32
        %parallel_loop3A_475 = arith.index_cast %parallel_loop3A_474 : i32 to index
        %parallel_loop3A_476 = tpu.vector_load %arg5[%parallel_loop3A_475] {strides = array<i32>} : memref<16384xi32, #tpu.memory_space<vmem>>, vector<16xi32>,
        %parallel_loop3A_477 = arith.addi %parallel_loop3A_471, %parallel_loop3A_476 : vector<16xi32>
        %parallel_loop3A_478 = arith.constant 12288 : i32
        %parallel_loop3A_479 = arith.addi %parallel_loop3A_478, %parallel_loop3A_408 : i32
        %parallel_loop3A_480 = tpu.assume_multiple %parallel_loop3A_479, 16 : i32
        %parallel_loop3A_481 = arith.index_cast %parallel_loop3A_480 : i32 to index
        %parallel_loop3A_482 = tpu.vector_load %arg5[%parallel_loop3A_481] {strides = array<i32>} : memref<16384xi32, #tpu.memory_space<vmem>>, vector<16xi32>,
        %parallel_loop3A_483 = arith.addi %parallel_loop3A_477, %parallel_loop3A_482 : vector<16xi32>
        %parallel_loop3A_484 = arith.constant 13312 : i32
        %parallel_loop3A_485 = arith.addi %parallel_loop3A_484, %parallel_loop3A_408 : i32
        %parallel_loop3A_486 = tpu.assume_multiple %parallel_loop3A_485, 16 : i32
        %parallel_loop3A_487 = arith.index_cast %parallel_loop3A_486 : i32 to index
        %parallel_loop3A_488 = tpu.vector_load %arg5[%parallel_loop3A_487] {strides = array<i32>} : memref<16384xi32, #tpu.memory_space<vmem>>, vector<16xi32>,
        %parallel_loop3A_489 = arith.addi %parallel_loop3A_483, %parallel_loop3A_488 : vector<16xi32>
        %parallel_loop3A_490 = arith.constant 14336 : i32
        %parallel_loop3A_491 = arith.addi %parallel_loop3A_490, %parallel_loop3A_408 : i32
        %parallel_loop3A_492 = tpu.assume_multiple %parallel_loop3A_491, 16 : i32
        %parallel_loop3A_493 = arith.index_cast %parallel_loop3A_492 : i32 to index
        %parallel_loop3A_494 = tpu.vector_load %arg5[%parallel_loop3A_493] {strides = array<i32>} : memref<16384xi32, #tpu.memory_space<vmem>>, vector<16xi32>,
        %parallel_loop3A_495 = arith.addi %parallel_loop3A_489, %parallel_loop3A_494 : vector<16xi32>
        %parallel_loop3A_496 = arith.constant 15360 : i32
        %parallel_loop3A_497 = arith.addi %parallel_loop3A_496, %parallel_loop3A_408 : i32
        %parallel_loop3A_498 = tpu.assume_multiple %parallel_loop3A_497, 16 : i32
        %parallel_loop3A_499 = arith.index_cast %parallel_loop3A_498 : i32 to index
        %parallel_loop3A_500 = tpu.vector_load %arg5[%parallel_loop3A_499] {strides = array<i32>} : memref<16384xi32, #tpu.memory_space<vmem>>, vector<16xi32>,
        %parallel_loop3A_501 = arith.addi %parallel_loop3A_495, %parallel_loop3A_500 : vector<16xi32>
        %parallel_loop3A_502 = arith.constant true
        %parallel_loop3A_503 = vector.broadcast %parallel_loop3A_502 : i1 to vector<16xi1>
        %parallel_loop3A_504 = tpu.scan <sum>, %parallel_loop3A_501 masked %parallel_loop3A_503 : vector<16xi32>, vector<16xi1> -> vector<16xi32>
        %parallel_loop3A_505 = vector.broadcast %parallel_loop3A_406 : i32 to vector<16xi32>
        tpu.vector_store_idx %arg6[%parallel_loop3A_505], %parallel_loop3A_504 masked %eq3A_8 : memref<64xi32, #tpu.memory_space<vmem>>[vector<16xi32>], vector<16xi32>, vector<16xi1>
      } {sc.loop_unroll_factor = 2 : i64, sc.parallel_access}
      %get3A = arith.constant 0 : index
      %get3A_26 = tpu.vector_load %arg6[%get3A] {strides = array<i32>} : memref<64xi32, #tpu.memory_space<vmem>>, vector<16xi32>,
      %get3A_27 = arith.constant 16 : index
      %get3A_28 = tpu.vector_load %arg6[%get3A_27] {strides = array<i32>} : memref<64xi32, #tpu.memory_space<vmem>>, vector<16xi32>,
      %get3A_29 = arith.constant 32 : index
      %get3A_30 = tpu.vector_load %arg6[%get3A_29] {strides = array<i32>} : memref<64xi32, #tpu.memory_space<vmem>>, vector<16xi32>,
      %get3A_31 = arith.constant 48 : index
      %get3A_32 = tpu.vector_load %arg6[%get3A_31] {strides = array<i32>} : memref<64xi32, #tpu.memory_space<vmem>>, vector<16xi32>,
      %rev3A = arith.constant 15 : i32
      %rev3A_33 = vector.broadcast %rev3A : i32 to vector<16xi32>
      %rev3A_34 = tpu.iota {dimensions = array<i32: 0>} : vector<16xi32>
      %rev3A_35 = arith.subi %rev3A_33, %rev3A_34 : vector<16xi32>
      %rev3A_36 = tpu.dynamic_gather %get3A_26[%rev3A_35] in [0] : vector<16xi32>, vector<16xi32> -> vector<16xi32>
      %broadcast_in_dim3A_37 = arith.constant true
      %broadcast_in_dim3A_38 = vector.broadcast %broadcast_in_dim3A_37 : i1 to vector<16xi1>
      %masked_cumsum3A = tpu.scan <sum>, %rev3A_36 masked %broadcast_in_dim3A_38 : vector<16xi32>, vector<16xi1> -> vector<16xi32>
      %rev3A_39 = arith.constant 15 : i32
      %rev3A_40 = vector.broadcast %rev3A_39 : i32 to vector<16xi32>
      %rev3A_41 = tpu.iota {dimensions = array<i32: 0>} : vector<16xi32>
      %rev3A_42 = arith.subi %rev3A_40, %rev3A_41 : vector<16xi32>
      %rev3A_43 = tpu.dynamic_gather %masked_cumsum3A[%rev3A_42] in [0] : vector<16xi32>, vector<16xi32> -> vector<16xi32>
      %rev3A_44 = arith.constant 15 : i32
      %rev3A_45 = vector.broadcast %rev3A_44 : i32 to vector<16xi32>
      %rev3A_46 = tpu.iota {dimensions = array<i32: 0>} : vector<16xi32>
      %rev3A_47 = arith.subi %rev3A_45, %rev3A_46 : vector<16xi32>
      %rev3A_48 = tpu.dynamic_gather %get3A_28[%rev3A_47] in [0] : vector<16xi32>, vector<16xi32> -> vector<16xi32>
      %broadcast_in_dim3A_49 = arith.constant true
      %broadcast_in_dim3A_50 = vector.broadcast %broadcast_in_dim3A_49 : i1 to vector<16xi1>
      %masked_cumsum3A_51 = tpu.scan <sum>, %rev3A_48 masked %broadcast_in_dim3A_50 : vector<16xi32>, vector<16xi1> -> vector<16xi32>
      %rev3A_52 = arith.constant 15 : i32
      %rev3A_53 = vector.broadcast %rev3A_52 : i32 to vector<16xi32>
      %rev3A_54 = tpu.iota {dimensions = array<i32: 0>} : vector<16xi32>
      %rev3A_55 = arith.subi %rev3A_53, %rev3A_54 : vector<16xi32>
      %rev3A_56 = tpu.dynamic_gather %masked_cumsum3A_51[%rev3A_55] in [0] : vector<16xi32>, vector<16xi32> -> vector<16xi32>
      %rev3A_57 = arith.constant 15 : i32
      %rev3A_58 = vector.broadcast %rev3A_57 : i32 to vector<16xi32>
      %rev3A_59 = tpu.iota {dimensions = array<i32: 0>} : vector<16xi32>
      %rev3A_60 = arith.subi %rev3A_58, %rev3A_59 : vector<16xi32>
      %rev3A_61 = tpu.dynamic_gather %get3A_30[%rev3A_60] in [0] : vector<16xi32>, vector<16xi32> -> vector<16xi32>
      %broadcast_in_dim3A_62 = arith.constant true
      %broadcast_in_dim3A_63 = vector.broadcast %broadcast_in_dim3A_62 : i1 to vector<16xi1>
      %masked_cumsum3A_64 = tpu.scan <sum>, %rev3A_61 masked %broadcast_in_dim3A_63 : vector<16xi32>, vector<16xi1> -> vector<16xi32>
      %rev3A_65 = arith.constant 15 : i32
      %rev3A_66 = vector.broadcast %rev3A_65 : i32 to vector<16xi32>
      %rev3A_67 = tpu.iota {dimensions = array<i32: 0>} : vector<16xi32>
      %rev3A_68 = arith.subi %rev3A_66, %rev3A_67 : vector<16xi32>
      %rev3A_69 = tpu.dynamic_gather %masked_cumsum3A_64[%rev3A_68] in [0] : vector<16xi32>, vector<16xi32> -> vector<16xi32>
      %rev3A_70 = arith.constant 15 : i32
      %rev3A_71 = vector.broadcast %rev3A_70 : i32 to vector<16xi32>
      %rev3A_72 = tpu.iota {dimensions = array<i32: 0>} : vector<16xi32>
      %rev3A_73 = arith.subi %rev3A_71, %rev3A_72 : vector<16xi32>
      %rev3A_74 = tpu.dynamic_gather %get3A_32[%rev3A_73] in [0] : vector<16xi32>, vector<16xi32> -> vector<16xi32>
      %broadcast_in_dim3A_75 = arith.constant true
      %broadcast_in_dim3A_76 = vector.broadcast %broadcast_in_dim3A_75 : i1 to vector<16xi1>
      %masked_cumsum3A_77 = tpu.scan <sum>, %rev3A_74 masked %broadcast_in_dim3A_76 : vector<16xi32>, vector<16xi1> -> vector<16xi32>
      %rev3A_78 = arith.constant 15 : i32
      %rev3A_79 = vector.broadcast %rev3A_78 : i32 to vector<16xi32>
      %rev3A_80 = tpu.iota {dimensions = array<i32: 0>} : vector<16xi32>
      %rev3A_81 = arith.subi %rev3A_79, %rev3A_80 : vector<16xi32>
      %rev3A_82 = tpu.dynamic_gather %masked_cumsum3A_77[%rev3A_81] in [0] : vector<16xi32>, vector<16xi32> -> vector<16xi32>
      %slice3A = vector.extract_strided_slice %rev3A_43 {offsets = [0], sizes = [1], strides = [1]} : vector<16xi32> to vector<1xi32>
      %squeeze3A = vector.extract %slice3A[0] : i32 from vector<1xi32>
      %slice3A_83 = vector.extract_strided_slice %rev3A_56 {offsets = [0], sizes = [1], strides = [1]} : vector<16xi32> to vector<1xi32>
      %squeeze3A_84 = vector.extract %slice3A_83[0] : i32 from vector<1xi32>
      %slice3A_85 = vector.extract_strided_slice %rev3A_69 {offsets = [0], sizes = [1], strides = [1]} : vector<16xi32> to vector<1xi32>
      %squeeze3A_86 = vector.extract %slice3A_85[0] : i32 from vector<1xi32>
      %slice3A_87 = vector.extract_strided_slice %rev3A_82 {offsets = [0], sizes = [1], strides = [1]} : vector<16xi32> to vector<1xi32>
      %squeeze3A_88 = vector.extract %slice3A_87[0] : i32 from vector<1xi32>
      %add3A_89 = arith.constant 0 : i32
      %add3A_90 = vector.broadcast %add3A_89 : i32 to vector<16xi32>
      %add3A_91 = arith.addi %rev3A_82, %add3A_90 : vector<16xi32>
      %ge3A = arith.constant 256 : i32
      %ge3A_92 = vector.broadcast %ge3A : i32 to vector<16xi32>
      %ge3A_93 = arith.cmpi sge, %add3A_91, %ge3A_92 : vector<16xi32>
      %all_reduce_population_count3A = tpu.all_reduce %ge3A_93 {dim = 0 : i64, kind = #tpu.reduction_kind<sum>} : vector<16xi1> -> vector<16xi32>
      %add3A_94 = arith.addi %broadcast_in_dim3A_1, %all_reduce_population_count3A : vector<16xi32>
      %add3A_95 = arith.constant 0 : i32
      %add3A_96 = arith.addi %add3A_95, %squeeze3A_88 : i32
      %add3A_97 = vector.broadcast %add3A_96 : i32 to vector<16xi32>
      %add3A_98 = arith.addi %rev3A_69, %add3A_97 : vector<16xi32>
      %ge3A_99 = arith.constant 256 : i32
      %ge3A_100 = vector.broadcast %ge3A_99 : i32 to vector<16xi32>
      %ge3A_101 = arith.cmpi sge, %add3A_98, %ge3A_100 : vector<16xi32>
      %all_reduce_population_count3A_102 = tpu.all_reduce %ge3A_101 {dim = 0 : i64, kind = #tpu.reduction_kind<sum>} : vector<16xi1> -> vector<16xi32>
      %add3A_103 = arith.addi %add3A_94, %all_reduce_population_count3A_102 : vector<16xi32>
      %add3A_104 = arith.addi %add3A_96, %squeeze3A_86 : i32
      %add3A_105 = vector.broadcast %add3A_104 : i32 to vector<16xi32>
      %add3A_106 = arith.addi %rev3A_56, %add3A_105 : vector<16xi32>
      %ge3A_107 = arith.constant 256 : i32
      %ge3A_108 = vector.broadcast %ge3A_107 : i32 to vector<16xi32>
      %ge3A_109 = arith.cmpi sge, %add3A_106, %ge3A_108 : vector<16xi32>
      %all_reduce_population_count3A_110 = tpu.all_reduce %ge3A_109 {dim = 0 : i64, kind = #tpu.reduction_kind<sum>} : vector<16xi1> -> vector<16xi32>
      %add3A_111 = arith.addi %add3A_103, %all_reduce_population_count3A_110 : vector<16xi32>
      %add3A_112 = arith.addi %add3A_104, %squeeze3A_84 : i32
      %add3A_113 = vector.broadcast %add3A_112 : i32 to vector<16xi32>
      %add3A_114 = arith.addi %rev3A_43, %add3A_113 : vector<16xi32>
      %ge3A_115 = arith.constant 256 : i32
      %ge3A_116 = vector.broadcast %ge3A_115 : i32 to vector<16xi32>
      %ge3A_117 = arith.cmpi sge, %add3A_114, %ge3A_116 : vector<16xi32>
      %all_reduce_population_count3A_118 = tpu.all_reduce %ge3A_117 {dim = 0 : i64, kind = #tpu.reduction_kind<sum>} : vector<16xi1> -> vector<16xi32>
      %add3A_119 = arith.addi %add3A_111, %all_reduce_population_count3A_118 : vector<16xi32>
      %add3A_120 = arith.addi %add3A_112, %squeeze3A : i32
      %reduce_max3A = arith.constant true
      %reduce_max3A_121 = vector.broadcast %reduce_max3A : i1 to vector<16xi1>
      %reduce_max3A_122 = arith.constant -2147483648 : i32
      %reduce_max3A_123 = vector.broadcast %reduce_max3A_122 : i32 to vector<16xi32>
      %reduce_max3A_124 = arith.xori %add3A_119, %reduce_max3A_123 : vector<16xi32>
      %reduce_max3A_125 = tpu.scan <max>, %reduce_max3A_124 masked %reduce_max3A_121 : vector<16xi32>, vector<16xi1> -> vector<16xi32>
      %reduce_max3A_126 = arith.xori %reduce_max3A_125, %reduce_max3A_123 : vector<16xi32>
      %reduce_max3A_127 = vector.extract %reduce_max3A_126[15] : i32 from vector<16xi32>
      %sub3A = arith.constant 1 : i32
      %sub3A_128 = arith.subi %reduce_max3A_127, %sub3A : i32
      %add3A_129 = arith.constant 0 : i32
      %add3A_130 = vector.broadcast %add3A_129 : i32 to vector<16xi32>
      %add3A_131 = arith.addi %add3A_130, %iota3A : vector<16xi32>
      %gt3A = vector.broadcast %sub3A_128 : i32 to vector<16xi32>
      %gt3A_132 = arith.cmpi sgt, %add3A_131, %gt3A : vector<16xi32>
      %jit3A = arith.constant 0 : i32
      %broadcast_in_dim3A_133 = vector.broadcast %jit3A : i32 to vector<16xi32>
      %select_n3A = arith.select %gt3A_132, %get3A_26, %broadcast_in_dim3A_133 : vector<16xi1>, vector<16xi32>
      %reduce_sum3A = arith.constant true
      %reduce_sum3A_134 = vector.broadcast %reduce_sum3A : i1 to vector<16xi1>
      %reduce_sum3A_135 = tpu.scan <sum>, %select_n3A masked %reduce_sum3A_134 : vector<16xi32>, vector<16xi1> -> vector<16xi32>
      %reduce_sum3A_136 = vector.extract %reduce_sum3A_135[15] : i32 from vector<16xi32>
      %add3A_137 = arith.constant 0 : i32
      %add3A_138 = arith.addi %add3A_137, %reduce_sum3A_136 : i32
      %add3A_139 = arith.constant 16 : i32
      %add3A_140 = vector.broadcast %add3A_139 : i32 to vector<16xi32>
      %add3A_141 = arith.addi %add3A_140, %iota3A : vector<16xi32>
      %gt3A_142 = vector.broadcast %sub3A_128 : i32 to vector<16xi32>
      %gt3A_143 = arith.cmpi sgt, %add3A_141, %gt3A_142 : vector<16xi32>
      %jit3A_144 = arith.constant 0 : i32
      %broadcast_in_dim3A_145 = vector.broadcast %jit3A_144 : i32 to vector<16xi32>
      %select_n3A_146 = arith.select %gt3A_143, %get3A_28, %broadcast_in_dim3A_145 : vector<16xi1>, vector<16xi32>
      %reduce_sum3A_147 = arith.constant true
      %reduce_sum3A_148 = vector.broadcast %reduce_sum3A_147 : i1 to vector<16xi1>
      %reduce_sum3A_149 = tpu.scan <sum>, %select_n3A_146 masked %reduce_sum3A_148 : vector<16xi32>, vector<16xi1> -> vector<16xi32>
      %reduce_sum3A_150 = vector.extract %reduce_sum3A_149[15] : i32 from vector<16xi32>
      %add3A_151 = arith.addi %add3A_138, %reduce_sum3A_150 : i32
      %add3A_152 = arith.constant 32 : i32
      %add3A_153 = vector.broadcast %add3A_152 : i32 to vector<16xi32>
      %add3A_154 = arith.addi %add3A_153, %iota3A : vector<16xi32>
      %gt3A_155 = vector.broadcast %sub3A_128 : i32 to vector<16xi32>
      %gt3A_156 = arith.cmpi sgt, %add3A_154, %gt3A_155 : vector<16xi32>
      %jit3A_157 = arith.constant 0 : i32
      %broadcast_in_dim3A_158 = vector.broadcast %jit3A_157 : i32 to vector<16xi32>
      %select_n3A_159 = arith.select %gt3A_156, %get3A_30, %broadcast_in_dim3A_158 : vector<16xi1>, vector<16xi32>
      %reduce_sum3A_160 = arith.constant true
      %reduce_sum3A_161 = vector.broadcast %reduce_sum3A_160 : i1 to vector<16xi1>
      %reduce_sum3A_162 = tpu.scan <sum>, %select_n3A_159 masked %reduce_sum3A_161 : vector<16xi32>, vector<16xi1> -> vector<16xi32>
      %reduce_sum3A_163 = vector.extract %reduce_sum3A_162[15] : i32 from vector<16xi32>
      %add3A_164 = arith.addi %add3A_151, %reduce_sum3A_163 : i32
      %add3A_165 = arith.constant 48 : i32
      %add3A_166 = vector.broadcast %add3A_165 : i32 to vector<16xi32>
      %add3A_167 = arith.addi %add3A_166, %iota3A : vector<16xi32>
      %gt3A_168 = vector.broadcast %sub3A_128 : i32 to vector<16xi32>
      %gt3A_169 = arith.cmpi sgt, %add3A_167, %gt3A_168 : vector<16xi32>
      %jit3A_170 = arith.constant 0 : i32
      %broadcast_in_dim3A_171 = vector.broadcast %jit3A_170 : i32 to vector<16xi32>
      %select_n3A_172 = arith.select %gt3A_169, %get3A_32, %broadcast_in_dim3A_171 : vector<16xi1>, vector<16xi32>
      %reduce_sum3A_173 = arith.constant true
      %reduce_sum3A_174 = vector.broadcast %reduce_sum3A_173 : i1 to vector<16xi1>
      %reduce_sum3A_175 = tpu.scan <sum>, %select_n3A_172 masked %reduce_sum3A_174 : vector<16xi32>, vector<16xi1> -> vector<16xi32>
      %reduce_sum3A_176 = vector.extract %reduce_sum3A_175[15] : i32 from vector<16xi32>
      %add3A_177 = arith.addi %add3A_164, %reduce_sum3A_176 : i32
      %mul3A_178 = arith.constant 16 : i32
      %mul3A_179 = arith.muli %sub3A_128, %mul3A_178 : i32
      %multiple_of3A = tpu.assume_multiple %mul3A_179, 16 : i32
      %get3A_180 = arith.index_cast %multiple_of3A : i32 to index
      %get3A_181 = tpu.vector_load %arg5[%get3A_180] {strides = array<i32>} : memref<16384xi32, #tpu.memory_space<vmem>>, vector<16xi32>,
      %add3A_182 = arith.constant 1024 : i32
      %add3A_183 = arith.addi %add3A_182, %mul3A_179 : i32
      %multiple_of3A_184 = tpu.assume_multiple %add3A_183, 16 : i32
      %get3A_185 = arith.index_cast %multiple_of3A_184 : i32 to index
      %get3A_186 = tpu.vector_load %arg5[%get3A_185] {strides = array<i32>} : memref<16384xi32, #tpu.memory_space<vmem>>, vector<16xi32>,
      %add3A_187 = arith.addi %get3A_181, %get3A_186 : vector<16xi32>
      %add3A_188 = arith.constant 2048 : i32
      %add3A_189 = arith.addi %add3A_188, %mul3A_179 : i32
      %multiple_of3A_190 = tpu.assume_multiple %add3A_189, 16 : i32
      %get3A_191 = arith.index_cast %multiple_of3A_190 : i32 to index
      %get3A_192 = tpu.vector_load %arg5[%get3A_191] {strides = array<i32>} : memref<16384xi32, #tpu.memory_space<vmem>>, vector<16xi32>,
      %add3A_193 = arith.addi %add3A_187, %get3A_192 : vector<16xi32>
      %add3A_194 = arith.constant 3072 : i32
      %add3A_195 = arith.addi %add3A_194, %mul3A_179 : i32
      %multiple_of3A_196 = tpu.assume_multiple %add3A_195, 16 : i32
      %get3A_197 = arith.index_cast %multiple_of3A_196 : i32 to index
      %get3A_198 = tpu.vector_load %arg5[%get3A_197] {strides = array<i32>} : memref<16384xi32, #tpu.memory_space<vmem>>, vector<16xi32>,
      %add3A_199 = arith.addi %add3A_193, %get3A_198 : vector<16xi32>
      %add3A_200 = arith.constant 4096 : i32
      %add3A_201 = arith.addi %add3A_200, %mul3A_179 : i32
      %multiple_of3A_202 = tpu.assume_multiple %add3A_201, 16 : i32
      %get3A_203 = arith.index_cast %multiple_of3A_202 : i32 to index
      %get3A_204 = tpu.vector_load %arg5[%get3A_203] {strides = array<i32>} : memref<16384xi32, #tpu.memory_space<vmem>>, vector<16xi32>,
      %add3A_205 = arith.addi %add3A_199, %get3A_204 : vector<16xi32>
      %add3A_206 = arith.constant 5120 : i32
      %add3A_207 = arith.addi %add3A_206, %mul3A_179 : i32
      %multiple_of3A_208 = tpu.assume_multiple %add3A_207, 16 : i32
      %get3A_209 = arith.index_cast %multiple_of3A_208 : i32 to index
      %get3A_210 = tpu.vector_load %arg5[%get3A_209] {strides = array<i32>} : memref<16384xi32, #tpu.memory_space<vmem>>, vector<16xi32>,
      %add3A_211 = arith.addi %add3A_205, %get3A_210 : vector<16xi32>
      %add3A_212 = arith.constant 6144 : i32
      %add3A_213 = arith.addi %add3A_212, %mul3A_179 : i32
      %multiple_of3A_214 = tpu.assume_multiple %add3A_213, 16 : i32
      %get3A_215 = arith.index_cast %multiple_of3A_214 : i32 to index
      %get3A_216 = tpu.vector_load %arg5[%get3A_215] {strides = array<i32>} : memref<16384xi32, #tpu.memory_space<vmem>>, vector<16xi32>,
      %add3A_217 = arith.addi %add3A_211, %get3A_216 : vector<16xi32>
      %add3A_218 = arith.constant 7168 : i32
      %add3A_219 = arith.addi %add3A_218, %mul3A_179 : i32
      %multiple_of3A_220 = tpu.assume_multiple %add3A_219, 16 : i32
      %get3A_221 = arith.index_cast %multiple_of3A_220 : i32 to index
      %get3A_222 = tpu.vector_load %arg5[%get3A_221] {strides = array<i32>} : memref<16384xi32, #tpu.memory_space<vmem>>, vector<16xi32>,
      %add3A_223 = arith.addi %add3A_217, %get3A_222 : vector<16xi32>
      %add3A_224 = arith.constant 8192 : i32
      %add3A_225 = arith.addi %add3A_224, %mul3A_179 : i32
      %multiple_of3A_226 = tpu.assume_multiple %add3A_225, 16 : i32
      %get3A_227 = arith.index_cast %multiple_of3A_226 : i32 to index
      %get3A_228 = tpu.vector_load %arg5[%get3A_227] {strides = array<i32>} : memref<16384xi32, #tpu.memory_space<vmem>>, vector<16xi32>,
      %add3A_229 = arith.addi %add3A_223, %get3A_228 : vector<16xi32>
      %add3A_230 = arith.constant 9216 : i32
      %add3A_231 = arith.addi %add3A_230, %mul3A_179 : i32
      %multiple_of3A_232 = tpu.assume_multiple %add3A_231, 16 : i32
      %get3A_233 = arith.index_cast %multiple_of3A_232 : i32 to index
      %get3A_234 = tpu.vector_load %arg5[%get3A_233] {strides = array<i32>} : memref<16384xi32, #tpu.memory_space<vmem>>, vector<16xi32>,
      %add3A_235 = arith.addi %add3A_229, %get3A_234 : vector<16xi32>
      %add3A_236 = arith.constant 10240 : i32
      %add3A_237 = arith.addi %add3A_236, %mul3A_179 : i32
      %multiple_of3A_238 = tpu.assume_multiple %add3A_237, 16 : i32
      %get3A_239 = arith.index_cast %multiple_of3A_238 : i32 to index
      %get3A_240 = tpu.vector_load %arg5[%get3A_239] {strides = array<i32>} : memref<16384xi32, #tpu.memory_space<vmem>>, vector<16xi32>,
      %add3A_241 = arith.addi %add3A_235, %get3A_240 : vector<16xi32>
      %add3A_242 = arith.constant 11264 : i32
      %add3A_243 = arith.addi %add3A_242, %mul3A_179 : i32
      %multiple_of3A_244 = tpu.assume_multiple %add3A_243, 16 : i32
      %get3A_245 = arith.index_cast %multiple_of3A_244 : i32 to index
      %get3A_246 = tpu.vector_load %arg5[%get3A_245] {strides = array<i32>} : memref<16384xi32, #tpu.memory_space<vmem>>, vector<16xi32>,
      %add3A_247 = arith.addi %add3A_241, %get3A_246 : vector<16xi32>
      %add3A_248 = arith.constant 12288 : i32
      %add3A_249 = arith.addi %add3A_248, %mul3A_179 : i32
      %multiple_of3A_250 = tpu.assume_multiple %add3A_249, 16 : i32
      %get3A_251 = arith.index_cast %multiple_of3A_250 : i32 to index
      %get3A_252 = tpu.vector_load %arg5[%get3A_251] {strides = array<i32>} : memref<16384xi32, #tpu.memory_space<vmem>>, vector<16xi32>,
      %add3A_253 = arith.addi %add3A_247, %get3A_252 : vector<16xi32>
      %add3A_254 = arith.constant 13312 : i32
      %add3A_255 = arith.addi %add3A_254, %mul3A_179 : i32
      %multiple_of3A_256 = tpu.assume_multiple %add3A_255, 16 : i32
      %get3A_257 = arith.index_cast %multiple_of3A_256 : i32 to index
      %get3A_258 = tpu.vector_load %arg5[%get3A_257] {strides = array<i32>} : memref<16384xi32, #tpu.memory_space<vmem>>, vector<16xi32>,
      %add3A_259 = arith.addi %add3A_253, %get3A_258 : vector<16xi32>
      %add3A_260 = arith.constant 14336 : i32
      %add3A_261 = arith.addi %add3A_260, %mul3A_179 : i32
      %multiple_of3A_262 = tpu.assume_multiple %add3A_261, 16 : i32
      %get3A_263 = arith.index_cast %multiple_of3A_262 : i32 to index
      %get3A_264 = tpu.vector_load %arg5[%get3A_263] {strides = array<i32>} : memref<16384xi32, #tpu.memory_space<vmem>>, vector<16xi32>,
      %add3A_265 = arith.addi %add3A_259, %get3A_264 : vector<16xi32>
      %add3A_266 = arith.constant 15360 : i32
      %add3A_267 = arith.addi %add3A_266, %mul3A_179 : i32
      %multiple_of3A_268 = tpu.assume_multiple %add3A_267, 16 : i32
      %get3A_269 = arith.index_cast %multiple_of3A_268 : i32 to index
      %get3A_270 = tpu.vector_load %arg5[%get3A_269] {strides = array<i32>} : memref<16384xi32, #tpu.memory_space<vmem>>, vector<16xi32>,
      %add3A_271 = arith.addi %add3A_265, %get3A_270 : vector<16xi32>
      %rev3A_272 = arith.constant 15 : i32
      %rev3A_273 = vector.broadcast %rev3A_272 : i32 to vector<16xi32>
      %rev3A_274 = tpu.iota {dimensions = array<i32: 0>} : vector<16xi32>
      %rev3A_275 = arith.subi %rev3A_273, %rev3A_274 : vector<16xi32>
      %rev3A_276 = tpu.dynamic_gather %add3A_271[%rev3A_275] in [0] : vector<16xi32>, vector<16xi32> -> vector<16xi32>
      %broadcast_in_dim3A_277 = arith.constant true
      %broadcast_in_dim3A_278 = vector.broadcast %broadcast_in_dim3A_277 : i1 to vector<16xi1>
      %masked_cumsum3A_279 = tpu.scan <sum>, %rev3A_276 masked %broadcast_in_dim3A_278 : vector<16xi32>, vector<16xi1> -> vector<16xi32>
      %rev3A_280 = arith.constant 15 : i32
      %rev3A_281 = vector.broadcast %rev3A_280 : i32 to vector<16xi32>
      %rev3A_282 = tpu.iota {dimensions = array<i32: 0>} : vector<16xi32>
      %rev3A_283 = arith.subi %rev3A_281, %rev3A_282 : vector<16xi32>
      %rev3A_284 = tpu.dynamic_gather %masked_cumsum3A_279[%rev3A_283] in [0] : vector<16xi32>, vector<16xi32> -> vector<16xi32>
      %add3A_285 = vector.broadcast %add3A_177 : i32 to vector<16xi32>
      %add3A_286 = arith.addi %add3A_285, %rev3A_284 : vector<16xi32>
      %ge3A_287 = arith.constant 256 : i32
      %ge3A_288 = vector.broadcast %ge3A_287 : i32 to vector<16xi32>
      %ge3A_289 = arith.cmpi sge, %add3A_286, %ge3A_288 : vector<16xi32>
      %all_reduce_population_count3A_290 = tpu.all_reduce %ge3A_289 {dim = 0 : i64, kind = #tpu.reduction_kind<sum>} : vector<16xi1> -> vector<16xi32>
      %sub3A_291 = arith.constant 1 : i32
      %sub3A_292 = vector.broadcast %sub3A_291 : i32 to vector<16xi32>
      %sub3A_293 = arith.subi %all_reduce_population_count3A_290, %sub3A_292 : vector<16xi32>
      %mul3A_294 = arith.constant 16 : i32
      %mul3A_295 = arith.muli %sub3A_128, %mul3A_294 : i32
      %add3A_296 = vector.broadcast %mul3A_295 : i32 to vector<16xi32>
      %add3A_297 = arith.addi %add3A_296, %sub3A_293 : vector<16xi32>
      %gt3A_298 = arith.cmpi sgt, %iota3A, %sub3A_293 : vector<16xi32>
      %jit3A_299 = arith.constant 0 : i32
      %broadcast_in_dim3A_300 = vector.broadcast %jit3A_299 : i32 to vector<16xi32>
      %select_n3A_301 = arith.select %gt3A_298, %add3A_271, %broadcast_in_dim3A_300 : vector<16xi1>, vector<16xi32>
      %reduce_sum3A_302 = arith.constant true
      %reduce_sum3A_303 = vector.broadcast %reduce_sum3A_302 : i1 to vector<16xi1>
      %reduce_sum3A_304 = tpu.scan <sum>, %select_n3A_301 masked %reduce_sum3A_303 : vector<16xi32>, vector<16xi1> -> vector<16xi32>
      %reduce_sum3A_305 = vector.extract %reduce_sum3A_304[15] : i32 from vector<16xi32>
      %add3A_306 = arith.addi %add3A_177, %reduce_sum3A_305 : i32
      %sub3A_307 = arith.constant 256 : i32
      %sub3A_308 = arith.subi %sub3A_307, %add3A_306 : i32
      %mul3A_309 = arith.constant 16 : i32
      %mul3A_310 = arith.muli %sub3A_128, %mul3A_309 : i32
      %reduce_max3A_311 = arith.constant true
      %reduce_max3A_312 = vector.broadcast %reduce_max3A_311 : i1 to vector<16xi1>
      %reduce_max3A_313 = arith.constant -2147483648 : i32
      %reduce_max3A_314 = vector.broadcast %reduce_max3A_313 : i32 to vector<16xi32>
      %reduce_max3A_315 = arith.xori %all_reduce_population_count3A_290, %reduce_max3A_314 : vector<16xi32>
      %reduce_max3A_316 = tpu.scan <max>, %reduce_max3A_315 masked %reduce_max3A_312 : vector<16xi32>, vector<16xi1> -> vector<16xi32>
      %reduce_max3A_317 = arith.xori %reduce_max3A_316, %reduce_max3A_314 : vector<16xi32>
      %reduce_max3A_318 = vector.extract %reduce_max3A_317[15] : i32 from vector<16xi32>
      %add3A_319 = arith.addi %mul3A_310, %reduce_max3A_318 : i32
      %sub3A_320 = arith.constant 1 : i32
      %sub3A_321 = arith.subi %add3A_319, %sub3A_320 : i32
      %parallel_loop3A_322 = arith.constant 0 : i32
      %parallel_loop3A_323 = arith.constant 2048 : i32
      %parallel_loop3A_324 = arith.constant 1 : i32
      %parallel_loop3A_325 = scf.for %parallel_loop3A_406 = %parallel_loop3A_322 to %parallel_loop3A_323 step %parallel_loop3A_324 iter_args(%parallel_loop3A_407 = %broadcast_in_dim3A_1) -> (vector<16xi32>)  : i32 {
        %parallel_loop3A_408 = arith.constant 16 : i32
        %parallel_loop3A_409 = arith.muli %parallel_loop3A_406, %parallel_loop3A_408 : i32
        %parallel_loop3A_410 = tpu.assume_multiple %parallel_loop3A_409, 16 : i32
        %parallel_loop3A_411 = arith.index_cast %parallel_loop3A_410 : i32 to index
        %parallel_loop3A_412 = tpu.vector_load %arg4[%parallel_loop3A_411] {strides = array<i32>} : memref<32768xf32, #tpu.memory_space<vmem>>, vector<16xf32>,
        %parallel_loop3A_413 = tpu.bitcast %parallel_loop3A_412 : vector<16xf32> -> vector<16xi32>
        %parallel_loop3A_414 = arith.constant 31 : i32
        %parallel_loop3A_415 = vector.broadcast %parallel_loop3A_414 : i32 to vector<16xi32>
        %parallel_loop3A_416 = arith.shrsi %parallel_loop3A_413, %parallel_loop3A_415 : vector<16xi32>
        %parallel_loop3A_417 = arith.constant -2147483648 : i32
        %parallel_loop3A_418 = vector.broadcast %parallel_loop3A_417 : i32 to vector<16xi32>
        %parallel_loop3A_419 = arith.ori %parallel_loop3A_416, %parallel_loop3A_418 : vector<16xi32>
        %parallel_loop3A_420 = arith.xori %parallel_loop3A_413, %parallel_loop3A_419 : vector<16xi32>
        %parallel_loop3A_421 = arith.constant 22 : i32
        %parallel_loop3A_422 = vector.broadcast %parallel_loop3A_421 : i32 to vector<16xi32>
        %parallel_loop3A_423 = arith.shrsi %parallel_loop3A_420, %parallel_loop3A_422 : vector<16xi32>
        %parallel_loop3A_424 = arith.constant 1023 : i32
        %parallel_loop3A_425 = vector.broadcast %parallel_loop3A_424 : i32 to vector<16xi32>
        %parallel_loop3A_426 = arith.andi %parallel_loop3A_423, %parallel_loop3A_425 : vector<16xi32>
        %parallel_loop3A_427 = arith.cmpi eq, %parallel_loop3A_426, %add3A_297 : vector<16xi32>
        %parallel_loop3A_428 = arith.extui %parallel_loop3A_427 : vector<16xi1> to vector<16xi32>
        %parallel_loop3A_429 = arith.constant true
        %parallel_loop3A_430 = vector.broadcast %parallel_loop3A_429 : i1 to vector<16xi1>
        %parallel_loop3A_431 = tpu.scan <sum>, %parallel_loop3A_428 masked %parallel_loop3A_430 : vector<16xi32>, vector<16xi1> -> vector<16xi32>
        %parallel_loop3A_432 = arith.addi %parallel_loop3A_407, %parallel_loop3A_431 : vector<16xi32>
        %parallel_loop3A_433 = arith.constant 1 : i32
        %parallel_loop3A_434 = vector.broadcast %parallel_loop3A_433 : i32 to vector<16xi32>
        %parallel_loop3A_435 = arith.subi %parallel_loop3A_432, %parallel_loop3A_434 : vector<16xi32>
        %parallel_loop3A_436 = arith.constant 4194303 : i32
        %parallel_loop3A_437 = vector.broadcast %parallel_loop3A_436 : i32 to vector<16xi32>
        %parallel_loop3A_438 = arith.andi %parallel_loop3A_420, %parallel_loop3A_437 : vector<16xi32>
        tpu.vector_store_idx %arg7[%parallel_loop3A_435], %parallel_loop3A_438 masked %parallel_loop3A_427 : memref<32768xi32, #tpu.memory_space<vmem>>[vector<16xi32>], vector<16xi32>, vector<16xi1>
        %parallel_loop3A_439 = arith.constant 16 : i32
        %parallel_loop3A_440 = arith.muli %parallel_loop3A_406, %parallel_loop3A_439 : i32
        %parallel_loop3A_441 = vector.broadcast %parallel_loop3A_440 : i32 to vector<16xi32>
        %parallel_loop3A_442 = arith.addi %parallel_loop3A_441, %iota3A : vector<16xi32>
        tpu.vector_store_idx %arg8[%parallel_loop3A_435], %parallel_loop3A_442 masked %parallel_loop3A_427 : memref<32768xi32, #tpu.memory_space<vmem>>[vector<16xi32>], vector<16xi32>, vector<16xi1>
        %parallel_loop3A_443 = tpu.all_reduce %parallel_loop3A_427 {dim = 0 : i64, kind = #tpu.reduction_kind<sum>} : vector<16xi1> -> vector<16xi32>
        %parallel_loop3A_444 = arith.addi %parallel_loop3A_407, %parallel_loop3A_443 : vector<16xi32>
        scf.yield %parallel_loop3A_444 : vector<16xi32>
      } {sc.loop_unroll_factor = 8 : i64, sc.parallel_access}
      %reduce_max3A_326 = arith.constant true
      %reduce_max3A_327 = vector.broadcast %reduce_max3A_326 : i1 to vector<16xi1>
      %reduce_max3A_328 = arith.constant -2147483648 : i32
      %reduce_max3A_329 = vector.broadcast %reduce_max3A_328 : i32 to vector<16xi32>
      %reduce_max3A_330 = arith.xori %parallel_loop3A_325, %reduce_max3A_329 : vector<16xi32>
      %reduce_max3A_331 = tpu.scan <max>, %reduce_max3A_330 masked %reduce_max3A_327 : vector<16xi32>, vector<16xi1> -> vector<16xi32>
      %reduce_max3A_332 = arith.xori %reduce_max3A_331, %reduce_max3A_329 : vector<16xi32>
      %reduce_max3A_333 = vector.extract %reduce_max3A_332[15] : i32 from vector<16xi32>
      %add3A_334 = arith.constant 15 : i32
      %add3A_335 = arith.addi %reduce_max3A_333, %add3A_334 : i32
      %jit3A_336 = arith.constant 16 : i32
      %div3A = arith.divsi %add3A_335, %jit3A_336 : i32
      %sign3A = arith.constant 0 : i32
      %sign3A_337 = arith.cmpi sgt, %add3A_335, %sign3A : i32
      %sign3A_338 = arith.extui %sign3A_337 : i1 to i32
      %sign3A_339 = arith.constant 0 : i32
      %sign3A_340 = arith.cmpi slt, %add3A_335, %sign3A_339 : i32
      %sign3A_341 = arith.extui %sign3A_340 : i1 to i32
      %sign3A_342 = arith.subi %sign3A_338, %sign3A_341 : i32
      %sign3A_343 = arith.constant 0 : i32
      %sign3A_344 = arith.cmpi sgt, %jit3A_336, %sign3A_343 : i32
      %sign3A_345 = arith.extui %sign3A_344 : i1 to i32
      %sign3A_346 = arith.constant 0 : i32
      %sign3A_347 = arith.cmpi slt, %jit3A_336, %sign3A_346 : i32
      %sign3A_348 = arith.extui %sign3A_347 : i1 to i32
      %sign3A_349 = arith.subi %sign3A_345, %sign3A_348 : i32
      %ne3A = arith.cmpi ne, %sign3A_342, %sign3A_349 : i32
      %rem3A = arith.remsi %add3A_335, %jit3A_336 : i32
      %ne3A_350 = arith.constant 0 : i32
      %ne3A_351 = arith.cmpi ne, %rem3A, %ne3A_350 : i32
      %and3A = arith.andi %ne3A, %ne3A_351 : i1
      %sub3A_352 = arith.constant 1 : i32
      %sub3A_353 = arith.subi %div3A, %sub3A_352 : i32
      %select_n3A_354 = arith.select %and3A, %sub3A_353, %div3A : i32
      %scan3A_355 = arith.constant 0 : i32
      %scan3A_356 = arith.constant 0 : i32
      %scan3A_357 = arith.constant 22 : i32
      %scan3A_358 = arith.addi %scan3A_356, %scan3A_357 : i32
      %scan3A_359 = arith.constant 1 : i32
      %scan3A_360 = scf.for %scan3A_406 = %scan3A_356 to %scan3A_358 step %scan3A_359 iter_args(%scan3A_407 = %scan3A_355) -> (i32)  : i32 {
        %sub3A_408 = arith.constant 21 : i32
        %sub3A_409 = arith.subi %sub3A_408, %scan3A_406 : i32
        %shift_left3A_410 = arith.constant 1 : i32
        %shift_left3A_411 = arith.shli %shift_left3A_410, %sub3A_409 : i32
        %or3A_412 = arith.ori %scan3A_407, %shift_left3A_411 : i32
        %while3A_413 = arith.constant 0 : i32
        %while3A_414 = arith.subi %select_n3A_354, %while3A_413 : i32
        %while3A_415 = arith.addi %while3A_413, %while3A_414 : i32
        %while3A_416 = arith.constant 1 : i32
        %while3A_417 = arith.divsi %while3A_414, %while3A_416 : i32
        %while3A_418 = arith.muli %while3A_417, %while3A_416 : i32
        %while3A_419 = arith.addi %while3A_413, %while3A_418 : i32
        %while3A_420 = arith.constant 1 : i32
        %while3A_421 = scf.for %while3A_434 = %while3A_413 to %while3A_419 step %while3A_420 iter_args(%while3A_435 = %broadcast_in_dim3A_1) -> (vector<16xi32>)  : i32 {
          %mul3A_436 = arith.constant 16 : i32
          %mul3A_437 = arith.muli %while3A_434, %mul3A_436 : i32
          %multiple_of3A_438 = tpu.assume_multiple %mul3A_437, 16 : i32
          %get3A_439 = arith.index_cast %multiple_of3A_438 : i32 to index
          %get3A_440 = tpu.vector_load %arg7[%get3A_439] {strides = array<i32>} : memref<32768xi32, #tpu.memory_space<vmem>>, vector<16xi32>,
          %mul3A_441 = arith.constant 16 : i32
          %mul3A_442 = arith.muli %while3A_434, %mul3A_441 : i32
          %add3A_443 = vector.broadcast %mul3A_442 : i32 to vector<16xi32>
          %add3A_444 = arith.addi %add3A_443, %iota3A : vector<16xi32>
          %lt3A = vector.broadcast %reduce_max3A_333 : i32 to vector<16xi32>
          %lt3A_445 = arith.cmpi slt, %add3A_444, %lt3A : vector<16xi32>
          %ge3A_446 = vector.broadcast %or3A_412 : i32 to vector<16xi32>
          %ge3A_447 = arith.cmpi sge, %get3A_440, %ge3A_446 : vector<16xi32>
          %and3A_448 = arith.andi %ge3A_447, %lt3A_445 : vector<16xi1>
          %all_reduce_population_count3A_449 = tpu.all_reduce %and3A_448 {dim = 0 : i64, kind = #tpu.reduction_kind<sum>} : vector<16xi1> -> vector<16xi32>
          %add3A_450 = arith.addi %while3A_435, %all_reduce_population_count3A_449 : vector<16xi32>
          scf.yield %add3A_450 : vector<16xi32>
        }
        %while3A_422 = arith.constant 1 : i32
        %while3A_423 = scf.for %while3A_434 = %while3A_419 to %while3A_415 step %while3A_422 iter_args(%while3A_435 = %while3A_421) -> (vector<16xi32>)  : i32 {
          %mul3A_436 = arith.constant 16 : i32
          %mul3A_437 = arith.muli %while3A_434, %mul3A_436 : i32
          %multiple_of3A_438 = tpu.assume_multiple %mul3A_437, 16 : i32
          %get3A_439 = arith.index_cast %multiple_of3A_438 : i32 to index
          %get3A_440 = tpu.vector_load %arg7[%get3A_439] {strides = array<i32>} : memref<32768xi32, #tpu.memory_space<vmem>>, vector<16xi32>,
          %mul3A_441 = arith.constant 16 : i32
          %mul3A_442 = arith.muli %while3A_434, %mul3A_441 : i32
          %add3A_443 = vector.broadcast %mul3A_442 : i32 to vector<16xi32>
          %add3A_444 = arith.addi %add3A_443, %iota3A : vector<16xi32>
          %lt3A = vector.broadcast %reduce_max3A_333 : i32 to vector<16xi32>
          %lt3A_445 = arith.cmpi slt, %add3A_444, %lt3A : vector<16xi32>
          %ge3A_446 = vector.broadcast %or3A_412 : i32 to vector<16xi32>
          %ge3A_447 = arith.cmpi sge, %get3A_440, %ge3A_446 : vector<16xi32>
          %and3A_448 = arith.andi %ge3A_447, %lt3A_445 : vector<16xi1>
          %all_reduce_population_count3A_449 = tpu.all_reduce %and3A_448 {dim = 0 : i64, kind = #tpu.reduction_kind<sum>} : vector<16xi1> -> vector<16xi32>
          %add3A_450 = arith.addi %while3A_435, %all_reduce_population_count3A_449 : vector<16xi32>
          scf.yield %add3A_450 : vector<16xi32>
        }
        %reduce_max3A_424 = arith.constant true
        %reduce_max3A_425 = vector.broadcast %reduce_max3A_424 : i1 to vector<16xi1>
        %reduce_max3A_426 = arith.constant -2147483648 : i32
        %reduce_max3A_427 = vector.broadcast %reduce_max3A_426 : i32 to vector<16xi32>
        %reduce_max3A_428 = arith.xori %while3A_423, %reduce_max3A_427 : vector<16xi32>
        %reduce_max3A_429 = tpu.scan <max>, %reduce_max3A_428 masked %reduce_max3A_425 : vector<16xi32>, vector<16xi1> -> vector<16xi32>
        %reduce_max3A_430 = arith.xori %reduce_max3A_429, %reduce_max3A_427 : vector<16xi32>
        %reduce_max3A_431 = vector.extract %reduce_max3A_430[15] : i32 from vector<16xi32>
        %ge3A_432 = arith.cmpi sge, %reduce_max3A_431, %sub3A_308 : i32
        %select_n3A_433 = arith.select %ge3A_432, %or3A_412, %scan3A_407 : i32
        scf.yield %select_n3A_433 : i32
      }
      %scan3A_361 = arith.constant 22 : i32
      %while3A = arith.constant 0 : i32
      %while3A_362 = arith.subi %select_n3A_354, %while3A : i32
      %while3A_363 = arith.addi %while3A, %while3A_362 : i32
      %while3A_364 = arith.constant 1 : i32
      %while3A_365 = arith.divsi %while3A_362, %while3A_364 : i32
      %while3A_366 = arith.muli %while3A_365, %while3A_364 : i32
      %while3A_367 = arith.addi %while3A, %while3A_366 : i32
      %while3A_368 = arith.constant 1 : i32
      %while3A_369 = scf.for %while3A_406 = %while3A to %while3A_367 step %while3A_368 iter_args(%while3A_407 = %broadcast_in_dim3A_1) -> (vector<16xi32>)  : i32 {
        %mul3A_408 = arith.constant 16 : i32
        %mul3A_409 = arith.muli %while3A_406, %mul3A_408 : i32
        %multiple_of3A_410 = tpu.assume_multiple %mul3A_409, 16 : i32
        %get3A_411 = arith.index_cast %multiple_of3A_410 : i32 to index
        %get3A_412 = tpu.vector_load %arg7[%get3A_411] {strides = array<i32>} : memref<32768xi32, #tpu.memory_space<vmem>>, vector<16xi32>,
        %mul3A_413 = arith.constant 16 : i32
        %mul3A_414 = arith.muli %while3A_406, %mul3A_413 : i32
        %add3A_415 = vector.broadcast %mul3A_414 : i32 to vector<16xi32>
        %add3A_416 = arith.addi %add3A_415, %iota3A : vector<16xi32>
        %lt3A = vector.broadcast %reduce_max3A_333 : i32 to vector<16xi32>
        %lt3A_417 = arith.cmpi slt, %add3A_416, %lt3A : vector<16xi32>
        %gt3A_418 = vector.broadcast %scan3A_360 : i32 to vector<16xi32>
        %gt3A_419 = arith.cmpi sgt, %get3A_412, %gt3A_418 : vector<16xi32>
        %and3A_420 = arith.andi %gt3A_419, %lt3A_417 : vector<16xi1>
        %all_reduce_population_count3A_421 = tpu.all_reduce %and3A_420 {dim = 0 : i64, kind = #tpu.reduction_kind<sum>} : vector<16xi1> -> vector<16xi32>
        %add3A_422 = arith.addi %while3A_407, %all_reduce_population_count3A_421 : vector<16xi32>
        scf.yield %add3A_422 : vector<16xi32>
      }
      %while3A_370 = arith.constant 1 : i32
      %while3A_371 = scf.for %while3A_406 = %while3A_367 to %while3A_363 step %while3A_370 iter_args(%while3A_407 = %while3A_369) -> (vector<16xi32>)  : i32 {
        %mul3A_408 = arith.constant 16 : i32
        %mul3A_409 = arith.muli %while3A_406, %mul3A_408 : i32
        %multiple_of3A_410 = tpu.assume_multiple %mul3A_409, 16 : i32
        %get3A_411 = arith.index_cast %multiple_of3A_410 : i32 to index
        %get3A_412 = tpu.vector_load %arg7[%get3A_411] {strides = array<i32>} : memref<32768xi32, #tpu.memory_space<vmem>>, vector<16xi32>,
        %mul3A_413 = arith.constant 16 : i32
        %mul3A_414 = arith.muli %while3A_406, %mul3A_413 : i32
        %add3A_415 = vector.broadcast %mul3A_414 : i32 to vector<16xi32>
        %add3A_416 = arith.addi %add3A_415, %iota3A : vector<16xi32>
        %lt3A = vector.broadcast %reduce_max3A_333 : i32 to vector<16xi32>
        %lt3A_417 = arith.cmpi slt, %add3A_416, %lt3A : vector<16xi32>
        %gt3A_418 = vector.broadcast %scan3A_360 : i32 to vector<16xi32>
        %gt3A_419 = arith.cmpi sgt, %get3A_412, %gt3A_418 : vector<16xi32>
        %and3A_420 = arith.andi %gt3A_419, %lt3A_417 : vector<16xi1>
        %all_reduce_population_count3A_421 = tpu.all_reduce %and3A_420 {dim = 0 : i64, kind = #tpu.reduction_kind<sum>} : vector<16xi1> -> vector<16xi32>
        %add3A_422 = arith.addi %while3A_407, %all_reduce_population_count3A_421 : vector<16xi32>
        scf.yield %add3A_422 : vector<16xi32>
      }
      %reduce_max3A_372 = arith.constant true
      %reduce_max3A_373 = vector.broadcast %reduce_max3A_372 : i1 to vector<16xi1>
      %reduce_max3A_374 = arith.constant -2147483648 : i32
      %reduce_max3A_375 = vector.broadcast %reduce_max3A_374 : i32 to vector<16xi32>
      %reduce_max3A_376 = arith.xori %while3A_371, %reduce_max3A_375 : vector<16xi32>
      %reduce_max3A_377 = tpu.scan <max>, %reduce_max3A_376 masked %reduce_max3A_373 : vector<16xi32>, vector<16xi1> -> vector<16xi32>
      %reduce_max3A_378 = arith.xori %reduce_max3A_377, %reduce_max3A_375 : vector<16xi32>
      %reduce_max3A_379 = vector.extract %reduce_max3A_378[15] : i32 from vector<16xi32>
      %sub3A_380 = arith.subi %sub3A_308, %reduce_max3A_379 : i32
      %shift_left3A = arith.constant 22 : i32
      %shift_left3A_381 = arith.shli %sub3A_321, %shift_left3A : i32
      %or3A = arith.ori %shift_left3A_381, %scan3A_360 : i32
      %xor3A = arith.constant -2147483648 : i32
      %xor3A_382 = arith.xori %or3A, %xor3A : i32
      %broadcast_in_dim3A_383 = vector.broadcast %xor3A_382 : i32 to vector<16xi32>
      %shift_right_arithmetic3A = arith.constant 31 : i32
      %shift_right_arithmetic3A_384 = vector.broadcast %shift_right_arithmetic3A : i32 to vector<16xi32>
      %shift_right_arithmetic3A_385 = arith.shrsi %broadcast_in_dim3A_383, %shift_right_arithmetic3A_384 : vector<16xi32>
      %and3A_386 = arith.constant 2147483647 : i32
      %and3A_387 = vector.broadcast %and3A_386 : i32 to vector<16xi32>
      %and3A_388 = arith.andi %shift_right_arithmetic3A_385, %and3A_387 : vector<16xi32>
      %xor3A_389 = arith.xori %broadcast_in_dim3A_383, %and3A_388 : vector<16xi32>
      %bitcast_convert_type3A = tpu.bitcast %xor3A_389 : vector<16xi32> -> vector<16xf32>
      %slice3A_390 = vector.extract_strided_slice %bitcast_convert_type3A {offsets = [0], sizes = [1], strides = [1]} : vector<16xf32> to vector<1xf32>
      %squeeze3A_391 = vector.extract %slice3A_390[0] : f32 from vector<1xf32>
      %parallel_loop3A_392 = arith.constant 0 : i32
      %parallel_loop3A_393 = arith.constant 2048 : i32
      %parallel_loop3A_394 = arith.constant 1 : i32
      scf.for %parallel_loop3A_406 = %parallel_loop3A_392 to %parallel_loop3A_393 step %parallel_loop3A_394  : i32 {
        %parallel_loop3A_407 = arith.constant 16 : i32
        %parallel_loop3A_408 = arith.muli %parallel_loop3A_406, %parallel_loop3A_407 : i32
        %parallel_loop3A_409 = tpu.assume_multiple %parallel_loop3A_408, 16 : i32
        %parallel_loop3A_410 = arith.index_cast %parallel_loop3A_409 : i32 to index
        %parallel_loop3A_411 = tpu.vector_load %arg4[%parallel_loop3A_410] {strides = array<i32>} : memref<32768xf32, #tpu.memory_space<vmem>>, vector<16xf32>,
        %parallel_loop3A_412 = vector.broadcast %squeeze3A_391 : f32 to vector<16xf32>
        %parallel_loop3A_413 = arith.cmpf oge, %parallel_loop3A_411, %parallel_loop3A_412 : vector<16xf32>
        %parallel_loop3A_414 = arith.constant 0.000000e+00 : f32
        %parallel_loop3A_415 = vector.broadcast %parallel_loop3A_414 : f32 to vector<16xf32>
        %parallel_loop3A_416 = arith.select %parallel_loop3A_413, %parallel_loop3A_411, %parallel_loop3A_415 : vector<16xi1>, vector<16xf32>
        %parallel_loop3A_417 = arith.index_cast %parallel_loop3A_409 : i32 to index
        %parallel_loop3A_418 = tpu.vector_load %arg4[%parallel_loop3A_417] {strides = array<i32>} : memref<32768xf32, #tpu.memory_space<vmem>>, vector<16xf32>,
        tpu.vector_store %arg4[%parallel_loop3A_417], %parallel_loop3A_416 {strides = array<i32>} : memref<32768xf32, #tpu.memory_space<vmem>>, vector<16xf32>,
      } {sc.loop_unroll_factor = 8 : i64, sc.parallel_access}
      %while3A_395 = arith.constant 0 : i32
      %while3A_396 = arith.subi %select_n3A_354, %while3A_395 : i32
      %while3A_397 = arith.addi %while3A_395, %while3A_396 : i32
      %while3A_398 = arith.constant 1 : i32
      %while3A_399 = arith.divsi %while3A_396, %while3A_398 : i32
      %while3A_400 = arith.muli %while3A_399, %while3A_398 : i32
      %while3A_401 = arith.addi %while3A_395, %while3A_400 : i32
      %while3A_402 = arith.constant 1 : i32
      %while3A_403 = scf.for %while3A_406 = %while3A_395 to %while3A_401 step %while3A_402 iter_args(%while3A_407 = %broadcast_in_dim3A_1) -> (vector<16xi32>)  : i32 {
        %mul3A_408 = arith.constant 16 : i32
        %mul3A_409 = arith.muli %while3A_406, %mul3A_408 : i32
        %multiple_of3A_410 = tpu.assume_multiple %mul3A_409, 16 : i32
        %get3A_411 = arith.index_cast %multiple_of3A_410 : i32 to index
        %get3A_412 = tpu.vector_load %arg7[%get3A_411] {strides = array<i32>} : memref<32768xi32, #tpu.memory_space<vmem>>, vector<16xi32>,
        %get3A_413 = arith.index_cast %multiple_of3A_410 : i32 to index
        %get3A_414 = tpu.vector_load %arg8[%get3A_413] {strides = array<i32>} : memref<32768xi32, #tpu.memory_space<vmem>>, vector<16xi32>,
        %mul3A_415 = arith.constant 16 : i32
        %mul3A_416 = arith.muli %while3A_406, %mul3A_415 : i32
        %add3A_417 = vector.broadcast %mul3A_416 : i32 to vector<16xi32>
        %add3A_418 = arith.addi %add3A_417, %iota3A : vector<16xi32>
        %lt3A = vector.broadcast %reduce_max3A_333 : i32 to vector<16xi32>
        %lt3A_419 = arith.cmpi slt, %add3A_418, %lt3A : vector<16xi32>
        %eq3A_420 = vector.broadcast %scan3A_360 : i32 to vector<16xi32>
        %eq3A_421 = arith.cmpi eq, %get3A_412, %eq3A_420 : vector<16xi32>
        %and3A_422 = arith.andi %eq3A_421, %lt3A_419 : vector<16xi1>
        %convert_element_type3A = arith.extui %and3A_422 : vector<16xi1> to vector<16xi32>
        %broadcast_in_dim3A_423 = arith.constant true
        %broadcast_in_dim3A_424 = vector.broadcast %broadcast_in_dim3A_423 : i1 to vector<16xi1>
        %masked_cumsum3A_425 = tpu.scan <sum>, %convert_element_type3A masked %broadcast_in_dim3A_424 : vector<16xi32>, vector<16xi1> -> vector<16xi32>
        %add3A_426 = arith.addi %while3A_407, %masked_cumsum3A_425 : vector<16xi32>
        %gt3A_427 = vector.broadcast %sub3A_380 : i32 to vector<16xi32>
        %gt3A_428 = arith.cmpi sgt, %add3A_426, %gt3A_427 : vector<16xi32>
        %and3A_429 = arith.andi %and3A_422, %gt3A_428 : vector<16xi1>
        %broadcast_in_dim3A_430 = arith.constant 0.000000e+00 : f32
        %broadcast_in_dim3A_431 = vector.broadcast %broadcast_in_dim3A_430 : f32 to vector<16xf32>
        tpu.vector_store_idx %arg4[%get3A_414], %broadcast_in_dim3A_431 masked %and3A_429 : memref<32768xf32, #tpu.memory_space<vmem>>[vector<16xi32>], vector<16xf32>, vector<16xi1>
        %all_reduce_population_count3A_432 = tpu.all_reduce %and3A_422 {dim = 0 : i64, kind = #tpu.reduction_kind<sum>} : vector<16xi1> -> vector<16xi32>
        %add3A_433 = arith.addi %while3A_407, %all_reduce_population_count3A_432 : vector<16xi32>
        scf.yield %add3A_433 : vector<16xi32>
      }
      %while3A_404 = arith.constant 1 : i32
      %while3A_405 = scf.for %while3A_406 = %while3A_401 to %while3A_397 step %while3A_404 iter_args(%while3A_407 = %while3A_403) -> (vector<16xi32>)  : i32 {
        %mul3A_408 = arith.constant 16 : i32
        %mul3A_409 = arith.muli %while3A_406, %mul3A_408 : i32
        %multiple_of3A_410 = tpu.assume_multiple %mul3A_409, 16 : i32
        %get3A_411 = arith.index_cast %multiple_of3A_410 : i32 to index
        %get3A_412 = tpu.vector_load %arg7[%get3A_411] {strides = array<i32>} : memref<32768xi32, #tpu.memory_space<vmem>>, vector<16xi32>,
        %get3A_413 = arith.index_cast %multiple_of3A_410 : i32 to index
        %get3A_414 = tpu.vector_load %arg8[%get3A_413] {strides = array<i32>} : memref<32768xi32, #tpu.memory_space<vmem>>, vector<16xi32>,
        %mul3A_415 = arith.constant 16 : i32
        %mul3A_416 = arith.muli %while3A_406, %mul3A_415 : i32
        %add3A_417 = vector.broadcast %mul3A_416 : i32 to vector<16xi32>
        %add3A_418 = arith.addi %add3A_417, %iota3A : vector<16xi32>
        %lt3A = vector.broadcast %reduce_max3A_333 : i32 to vector<16xi32>
        %lt3A_419 = arith.cmpi slt, %add3A_418, %lt3A : vector<16xi32>
        %eq3A_420 = vector.broadcast %scan3A_360 : i32 to vector<16xi32>
        %eq3A_421 = arith.cmpi eq, %get3A_412, %eq3A_420 : vector<16xi32>
        %and3A_422 = arith.andi %eq3A_421, %lt3A_419 : vector<16xi1>
        %convert_element_type3A = arith.extui %and3A_422 : vector<16xi1> to vector<16xi32>
        %broadcast_in_dim3A_423 = arith.constant true
        %broadcast_in_dim3A_424 = vector.broadcast %broadcast_in_dim3A_423 : i1 to vector<16xi1>
        %masked_cumsum3A_425 = tpu.scan <sum>, %convert_element_type3A masked %broadcast_in_dim3A_424 : vector<16xi32>, vector<16xi1> -> vector<16xi32>
        %add3A_426 = arith.addi %while3A_407, %masked_cumsum3A_425 : vector<16xi32>
        %gt3A_427 = vector.broadcast %sub3A_380 : i32 to vector<16xi32>
        %gt3A_428 = arith.cmpi sgt, %add3A_426, %gt3A_427 : vector<16xi32>
        %and3A_429 = arith.andi %and3A_422, %gt3A_428 : vector<16xi1>
        %broadcast_in_dim3A_430 = arith.constant 0.000000e+00 : f32
        %broadcast_in_dim3A_431 = vector.broadcast %broadcast_in_dim3A_430 : f32 to vector<16xf32>
        tpu.vector_store_idx %arg4[%get3A_414], %broadcast_in_dim3A_431 masked %and3A_429 : memref<32768xf32, #tpu.memory_space<vmem>>[vector<16xi32>], vector<16xf32>, vector<16xi1>
        %all_reduce_population_count3A_432 = tpu.all_reduce %and3A_422 {dim = 0 : i64, kind = #tpu.reduction_kind<sum>} : vector<16xi1> -> vector<16xi32>
        %add3A_433 = arith.addi %while3A_407, %all_reduce_population_count3A_432 : vector<16xi32>
        scf.yield %add3A_433 : vector<16xi32>
      }
      "tpu.region"() ({
        %run_scoped3A = tpu.sem_alloc : memref<!tpu.dma_semaphore, #tpu.memory_space<semaphore_mem>>
        %dma_start3A = arith.constant 0 : i32
        %dma_start3A_406 = tpu.memref_slice %arg3[%add3A_17, %dma_start3A] : memref<128x32768xf32, #tpu.memory_space<hbm>> -> memref<1x32768xf32, #tpu.memory_space<hbm>>
        %dma_start3A_407 = tpu.memref_squeeze %dma_start3A_406 : memref<1x32768xf32, #tpu.memory_space<hbm>> -> memref<32768xf32, #tpu.memory_space<hbm>>
        %dma_start3A_408 = arith.constant 0 : i32
        %dma_start3A_409 = tpu.memref_slice %arg3[%add3A_17, %dma_start3A_408] : memref<128x32768xf32, #tpu.memory_space<hbm>> -> memref<1x32768xf32, #tpu.memory_space<hbm>>
        %dma_start3A_410 = tpu.memref_squeeze %dma_start3A_409 : memref<1x32768xf32, #tpu.memory_space<hbm>> -> memref<32768xf32, #tpu.memory_space<hbm>>
        tpu.enqueue_dma source(%arg4 : memref<32768xf32, #tpu.memory_space<vmem>>) target(%dma_start3A_410 : memref<32768xf32, #tpu.memory_space<hbm>>) target_semaphore(%run_scoped3A : memref<!tpu.dma_semaphore, #tpu.memory_space<semaphore_mem>>)
        %dma_wait3A = arith.constant 0 : i32
        %dma_wait3A_411 = tpu.memref_slice %arg3[%add3A_17, %dma_wait3A] : memref<128x32768xf32, #tpu.memory_space<hbm>> -> memref<1x32768xf32, #tpu.memory_space<hbm>>
        %dma_wait3A_412 = tpu.memref_squeeze %dma_wait3A_411 : memref<1x32768xf32, #tpu.memory_space<hbm>> -> memref<32768xf32, #tpu.memory_space<hbm>>
        %dma_wait3A_413 = arith.constant 0 : i32
        %dma_wait3A_414 = tpu.memref_slice %arg3[%add3A_17, %dma_wait3A_413] : memref<128x32768xf32, #tpu.memory_space<hbm>> -> memref<1x32768xf32, #tpu.memory_space<hbm>>
        %dma_wait3A_415 = tpu.memref_squeeze %dma_wait3A_414 : memref<1x32768xf32, #tpu.memory_space<hbm>> -> memref<32768xf32, #tpu.memory_space<hbm>>
        tpu.wait_dma2 semaphore(%run_scoped3A : memref<!tpu.dma_semaphore, #tpu.memory_space<semaphore_mem>>) src(%arg4 : memref<32768xf32, #tpu.memory_space<vmem>>) dst(%dma_wait3A_415 : memref<32768xf32, #tpu.memory_space<hbm>>)
        tpu.yield
      }) : () -> ()
    }
    %scan3A_13 = arith.constant 4 : i32
    return
  }
}

</mosaic_0001>

<sc_bundles>
// kernel: kernel.3.cloned.1.call-start
scs
__scs_entry_jumppad:
0x0: {  	(pc) =	sbr.rel $0x88, $3  }
0x1: {  	(tag) =	ssettag $0x0;
	lr =	simm.s32 $0x1  }
0x2: {  	[smem:$0x3FA0] =	sst lr;
	_ =	strace $0xD0000000  }
0x3: {  	_ = 	snop  }
0x4: {  	_ = 	snop  }
0x5: {  	_ = 	snop  }
0x6: {  	_ = 	snop  }
0x7: {  	_ = 	snop  }
__scs_overlays_trampoline_lowered:
0x8: {  	[smem:$0x3FAF] =	sst s0  }
0x9: {  	[smem:$0x3FB0] =	sst s1  }
0xa: {  	[smem:$0x3FB1] =	sst s2  }
0xb: {  	[smem:$0x3FB2] =	sst s3  }
0xc: {  	[smem:$0x3FB3] =	sst s4  }
0xd: {  	[smem:$0x3FB4] =	sst s5  }
0xe: {  	[smem:$0x3FB5] =	sst s6  }
0xf: {  	[smem:$0x3FB6] =	sst s7  }
0x10: {  	[smem:$0x3FB7] =	sst s8  }
0x11: {  	[smem:$0x3FB8] =	sst s9;
	s0 =	simm.s32 @!p0 $0x0  }
0x12: {  	s1 =	sld [smem:$0x3F9E];
	s0 =	simm.s32 @p0 $0x1  }
0x13: {  	[smem:$0x3FB9] =	sst s0;
	s0 =	simm.s32 @!p1 $0x0  }
0x14: {  	s2 =	sld [smem:$0x3F9D];
	s0 =	simm.s32 @p1 $0x1  }
0x15: {  	[smem:$0x3FBA] =	sst s0;
	s0 =	simm.s32 @!p2 $0x0  }
0x16: {  	s3 =	sld [smem:$0x3FDB];
	s0 =	simm.s32 @p2 $0x1  }
0x17: {  	s4 =	simm.s32 $0x1BF5;
	[smem:$0x3FBC] =	sst s0  }
0x18: {  	s0 =	sld [smem:$0x3F9F];
	_ =	swait.ge [sflag:s4], $0x0  }
0x19: {  	s7 =	sld [smem:$0x3FA0]  }
0x1a: {  	s8 =	sadd.s32 $0xFFFFE003, lr  }
0x1b: {  	s9 =	sadd.s32 $0xFFFFFEF7, lr;
	s5 =	simm.s32 $0xFFFFFFFF;
	p2 =	slt.u32 s8, $0xFFFFF086  }
0x1c: {  	p1 =	slt.u32 s9, $0xF7A;
	s5 =	simm.s32 @!p2 $0x0  }
0x1d: {  	s5 =	simm.s32 @p1 $0x1;
	p0 =	seq.s32 s7, s2  }
0x1e: {  	s7 =	smul.u32 @!p0 $0xF7A, s2;
	p2 =	seq.s32 @!p0 s5, $0x0  }
0x1f: {  	s9 =	smul.u32 $0xF7A, s1;
	s8 =	simm.s32 @!p0 $0x1BF5;
	p2 =	por !p2, p0  }
0x20: {  	[sflag:s8] =	ssyncset.s32 @!p0 $0xFFFFF086;
	s6 =	sadd.s32 @!p0 s3, s7;
	s7 =	simm.s32 @!p0 $0x108  }
0x21: {  	s3 =	sadd.s32 s3, s9;
	s6 =	sadd.s32 @!p0 $0x88, s6;
	s7 =	simm.s32 @p2 $0x1082  }
0x22: {  	[simem:s7], [sflag:s8] =	dma.local @!p0 [hbm:s6], $0xF7A  }
0x23: {  	s9 =	sor.u32 $0xD0000000, s2;
	s6 =	simm.s32 $0x108;
	_ =	swait.ge @!p0 [sflag:s8], $0x0  }
0x24: {  	s3 =	sadd.s32 $0x88, s3;
	s6 =	simm.s32 @!p1 $0x1082;
	[sflag:s4] =	ssyncset.s32 $0xFFFFF086  }
0x25: {  	[simem:s6], [sflag:s4] =	dma.local [hbm:s3], $0xF7A  }
0x26: {  	[smem:$0x3FA0] =	sst s1;
	(tag) =	ssettag s2;
	_ =	strace s9  }
0x27: {  	s1 =	sld [smem:$0x3FB0]  }
0x28: {  	s2 =	sld [smem:$0x3FB1]  }
0x29: {  	s4 =	sld [smem:$0x3FB3]  }
0x2a: {  	p0 =	seq.s32 s5, $0x0;
	s5 =	sld [smem:$0x3FB4]  }
0x2b: {  	s6 =	sld [smem:$0x3FB5]  }
0x2c: {  	s7 =	sld [smem:$0x3FB6]  }
0x2d: {  	s3 =	simm.s32 $0x108;
	s8 =	sld [smem:$0x3FB7]  }
0x2e: {  	s3 =	simm.s32 @!p0 $0x1082;
	s9 =	sld [smem:$0x3FB8]  }
0x2f: {  	lr =	sadd.s32 s0, s3;
	s0 =	sld [smem:$0x3FAF]  }
0x30: {  	s3 =	sld [smem:$0x3FB2]  }
0x31: {  	[smem:$0x3FBB] =	sst s10  }
0x32: {  	s10 =	sld [smem:$0x3FB9];
	_ =	sdelay $0x3  }
0x33: {  	p0 =	seq.s32 s10, $0x1;
	s10 =	sld [smem:$0x3FBB];
	_ =	sdelay $0x3  }
0x34: {  	[smem:$0x3FBB] =	sst s10  }
0x35: {  	s10 =	sld [smem:$0x3FBA];
	_ =	sdelay $0x3  }
0x36: {  	p1 =	seq.s32 s10, $0x1;
	s10 =	sld [smem:$0x3FBB];
	_ =	sdelay $0x3  }
0x37: {  	[smem:$0x3FBB] =	sst s10  }
0x38: {  	s10 =	sld [smem:$0x3FBC]  }
0x39: {  	_ = 	snop;
	(pc) =	sbr.ind lr, $3  }
0x3a: {  	_ = 	snop  }
0x3b: {  	_ = 	snop  }
0x3c: {  	p2 =	seq.s32 s10, $0x1;
	s10 =	sld [smem:$0x3FBB]  }
0x3d: {  	_ =	shalt  }
0x3e: {  	_ =	shalt  }
0x3f: {  	_ =	shalt  }
0x40: {  	_ =	shalt  }
0x41: {  	_ =	shalt  }
0x42: {  	_ =	shalt  }
0x43: {  	_ =	shalt  }
0x44: {  	_ =	shalt  }
0x45: {  	_ =	shalt  }
0x46: {  	_ =	shalt  }
0x47: {  	_ =	shalt  }
0x48: {  	_ =	shalt  }
0x49: {  	_ =	shalt  }
0x4a: {  	_ =	shalt  }
0x4b: {  	_ =	shalt  }
0x4c: {  	_ =	shalt  }
0x4d: {  	_ =	shalt  }
0x4e: {  	_ =	shalt  }
0x4f: {  	_ =	shalt  }
0x50: {  	_ =	shalt  }
0x51: {  	_ =	shalt  }
0x52: {  	_ =	shalt  }
0x53: {  	_ =	shalt  }
0x54: {  	_ =	shalt  }
0x55: {  	_ =	shalt  }
0x56: {  	_ =	shalt  }
0x57: {  	_ =	shalt  }
0x58: {  	_ =	shalt  }
0x59: {  	_ =	shalt  }
0x5a: {  	_ =	shalt  }
0x5b: {  	_ =	shalt  }
0x5c: {  	_ =	shalt  }
0x5d: {  	_ =	shalt  }
0x5e: {  	_ =	shalt  }
0x5f: {  	_ =	shalt  }
0x60: {  	_ =	shalt  }
0x61: {  	_ =	shalt  }
0x62: {  	_ =	shalt  }
0x63: {  	_ =	shalt  }
0x64: {  	_ =	shalt  }
0x65: {  	_ =	shalt  }
0x66: {  	_ =	shalt  }
0x67: {  	_ =	shalt  }
0x68: {  	_ =	shalt  }
0x69: {  	_ =	shalt  }
0x6a: {  	_ =	shalt  }
0x6b: {  	_ =	shalt  }
0x6c: {  	_ =	shalt  }
0x6d: {  	_ =	shalt  }
0x6e: {  	_ =	shalt  }
0x6f: {  	_ =	shalt  }
0x70: {  	_ =	shalt  }
0x71: {  	_ =	shalt  }
0x72: {  	_ =	shalt  }
0x73: {  	_ =	shalt  }
0x74: {  	_ =	shalt  }
0x75: {  	_ =	shalt  }
0x76: {  	_ =	shalt  }
0x77: {  	_ =	shalt  }
0x78: {  	_ =	shalt  }
0x79: {  	_ =	shalt  }
0x7a: {  	_ =	shalt  }
0x7b: {  	_ =	shalt  }
0x7c: {  	_ =	shalt  }
0x7d: {  	_ =	shalt  }
0x7e: {  	_ =	shalt  }
0x7f: {  	_ =	shalt  }
0x80: {  	_ =	shalt  }
0x81: {  	_ =	shalt  }
0x82: {  	_ =	shalt  }
0x83: {  	_ =	shalt  }
0x84: {  	_ =	shalt  }
0x85: {  	_ =	shalt  }
0x86: {  	_ =	shalt  }
0x87: {  	_ =	shalt  }
.Lfunc_end0:
.L_simem_size_0:
called_computation_lowered:
.L_overlay_start_0:
0x88: {  	s2 =	sld [smem:$0x3FD9]  }
0x89: {  	s3 =	sld [smem:$0x3FFE];
	_ =	sdelay $0x1  }
0x8a: {  	s1 =	srdreg.scid  }
0x8b: {  	s0 =	sand.u32 $0x1, s1  }
0x8c: {  	s18 =	sshll.u32 s0, $0xA;
	s2 =	sadd.s32 s3, s2  }
0x8d: {  	s2 =	sadd.s32 s2, s18  }
0x8e: {  	[smem:$0x3FC7] =	sst s2  }
0x8f: {  	_ = 	snop  }
0x90: {  	s2 =	sld [smem:$0x3FC9]  }
0x91: {  	s19 =	sld [smem:$0x3FD0];
	(tm) =	ssettm $0x1  }
0x92: {  	s4 =	sld [smem:$0x3FFB];
	_ =	sdelay $0x3  }
0x93: {  	_ =	strace s4  }
0x94: {  	s4 =	sld [smem:$0x3FFC];
	_ =	sdelay $0x3  }
0x95: {  	_ =	strace s4  }
0x96: {  	s4 =	sld [smem:$0x3FFD];
	_ =	sdelay $0x3  }
0x97: {  	_ =	strace s4  }
0x98: {  	_ =	strace $0x8FFFFFFF  }
0x99: {  	s20 =	sld [smem:$0x3FDB];
	_ =	sdelay $0x1  }
0x9a: {  	s5 =	simm.s32 $_scs_section_size  }
0x9b: {  	s6 =	simm.s32 $_size__tile_overlayer_lowered;
	s7 =	simm.s32 $_tile_overlayer_lowered  }
0x9c: {  	s23 =	simm.s32 $0x1BFF;
	s22 =	sshll.u32 s7, $0x1;
	s4 =	sadd.s32 s5, s20  }
0x9d: {  	s8 =	simm.s32 $0x0;
	s21 =	sshll.u32 s6, $0x1;
	s6 =	sadd.s32 s22, s4  }
0x9e: {  	[timem:s8], [sflag:s23] =	dma.local [hbm:s6], s21  }
0x9f: {  	_ =	swait.ge [sflag:s23], s21  }
0xa0: {  	s5 =	ssub.s32 $0x0, s21;
	[sflag:s23] =	ssyncset.done $0x0  }
0xa1: {  	[sflag:s23] =	ssyncadd.s32 s5;
	_ =	sdelay $0x1  }
0xa2: {  	s24 =	simm.s32 $0x1B8B  }
0xa3: {  	_ =	swait.ge [sflag:s24], $0x1  }
0xa4: {  	[sflag:s24] =	ssyncset.done $0x0  }
0xa5: {  	s25 =	simm.s32 $0x1B8E;
	[sflag:s24] =	ssyncadd.s32 $0xFFFFFFFF  }
0xa6: {  	s26 =	simm.s32 $execute0_lowered;
	[smem:$0x3FD2] =	sst s25  }
0xa7: {  	s5 =	sshll.u32 s26, $0x1;
	_ =	strace $0x80000046;
	[dreg:$0x1] =	wrdreg $0xFFFFFFFF  }
0xa8: {  	s28 =	simm.s32 $_size_execute0_lowered;
	s4 =	sadd.s32 s4, s5;
	[dreg:$0x0] =	wrdreg $0x0  }
0xa9: {  	s5 =	sshll.u32 s28, $0x1;
	[dreg:$0x2] =	wrdreg s4  }
0xaa: {  	[dreg:$0x3] =	wrdreg s5  }
0xab: {  	[dreg:$0x4] =	wrdreg $0xC0  }
0xac: {  	_ =	task [dreg:s8], $0x5FFFF  }
0xad: {  	[dreg:$0x1] =	wrdreg $0xFFFFFFFF  }
0xae: {  	[dreg:$0x0] =	wrdreg $0x60  }
0xaf: {  	[dreg:$0x2] =	wrdreg s2  }
0xb0: {  	[dreg:$0x3] =	wrdreg s19  }
0xb1: {  	[dreg:$0x4] =	wrdreg $0x9  }
0xb2: {  	_ =	task.clear_ibuf [dreg:s8], $0x5FFFF;
	_ =	strace $0x90000046  }
0xb3: {  	s29 =	simm.s32 $0x9;
	_ =	strace $0x80000048  }
0xb4: {  	_ =	swait.ge [sflag:s29], $0x1  }
0xb5: {  	[sflag:s29] =	ssyncadd.s32 $0xFFFFFFFF  }
0xb6: {  	_ =	strace $0x90000048  }
0xb7: {  	_ =	sfence  }
0xb8: {  	s30 =	sld [smem:$0x0];
	_ =	sdelay $0x2  }
0xb9: {  	s31 =	sshll.u32 s1, $0xD;
	s1 =	sshrl.u32 s1, $0x2  }
0xba: {  	s3 =	sand.u32 $0x4000, s31;
	s1 =	sadd.s32 s1, s30  }
0xbb: {  	s0 =	sor.u32 s3, s0;
	s1 =	sshll.u32 s1, $0x11  }
0xbc: {  	s0 =	sor.u32 s1, s0  }
0xbd: {  	s0 =	sadd.s32 $0x8F2B, s0  }
0xbe: {  	[sflag:s0] =	ssyncadd.remote.s32 $0x1  }
0xbf: {  	_ =	sfence.sel $0xFFFF  }
0xc0: {  	[dreg:$0x0] =	wrdreg $0xFFFFFFFF;
	(pc) =	sbr.abs _section_cstart, $3  }
0xc1: {  	[dreg:$0x1] =	wrdreg $0xFFFFFFFF  }
0xc2: {  	_ =	task.clear_ibuf [dreg:s8], $0x2FFFF;
	_ =	strace $0x9FFFFFFF  }
0xc3: {  	(tm) =	ssettm $0x7FFFFFFF  }
tec
execute0_lowered:
.L_overlay_start_1:
0x0: {  	(tag) =	ssettag $0x1  }
0x1: {  	s1 =	rddreg [dreg:$0x0];
	s0 =	srdreg.scid  }
0x2: {  	s2 =	rddreg [dreg:$0x1];
	s4 =	simm.s32 $0x0;
	s3 =	stileid.u32  }
0x3: {  	s8 =	simm.s32 $0x400;
	s9 =	simm.s32 $0x1;
	s10 =	simm.s32 $0x8000  }
0x4: {  	s11 =	simm.s32 $0xC000;
	s12 =	simm.s32 $0xC080;
	s13 =	simm.s32 $0x14080  }
.Ltmp0:
0x5: {  	s14 =	simm.s32 $0x200000;
	s5 =	sand.u32 $0x1, s0;
	(pc) =	sbr.rel .LBB2_1-.Ltmp0, $4  }
0x6: {  	v0 =	vlaneseq.u32;
	v1 =	vimm.s32 $0x0;
	s15 =	simm.s32 $0x0;
	s0 =	rddreg [dreg:$0x2];
	s6 =	ssub.s32 $0x2, s5  }
0x7: {  	v3 =	vimm.s32 $0x1;
	vm0 =	vcmask $0x3F3C;
	[smem:$0x7FF] =	sst s4;
	s31 =	sshll.u32 s3, $0xF;
	v4 =	vmul.u32 $0xFFFFFFFF, v0;
	s7 =	sshrl.u32 s6, $0x1  }
0x8: {  	v8 =	vimm.f32 $0.0e+00;
	v2 =	vmul.u32 $0x400, v0;
	v5 =	vor.u32 $0x10, v0;
	s5 =	sshll.u32 s5, $0x6;
	_ =	strace $0x80000047;
	s6 =	ssub.s32 s6, s7  }
0x9: {  	v6 =	vor.u32 $0x20, v0;
	v7 =	vor.u32 $0x30, v0;
	s5 =	sor.u32 s31, s5;
	v4 =	vadd.s32 $0xF, v4;
	s7 =	simm.s32 $0x80;
	s6 =	smax.u32 s6, $0x1  }
.LBB2_32:
0xa: {  	s15 =	sadd.s32 $0x1, s15  }
0xb: {  	p0 =	sne.s32 s15, s6  }
.Ltmp1:
0xc: {  	_ = 	snop;
	(pc) =	sbr.rel @!p0 .LBB2_33-.Ltmp1, $1  }
0xd: {  	_ =	sdelay $0x3  }
.LBB2_1:
.Ltmp2:
0xe: {  	(pc) =	sbr.rel .LBB2_2-.Ltmp2, $2  }
0xf: {  	_ =	sdelay $0x2  }
0x10: {  	s16 =	simm.s32 $0x0  }
.LBB2_26:
0x11: {  	s21 =	simm.s32 $0x0;
	s19 =	simm.s32 $0x14080  }
.LBB2_30:
0x12: {  	s21 =	sadd.s32 @p0 $0x10, s21  }
0x13: {  	s20 =	smov.u32 @p0 s21  }
0x14: {  	v13 =	vor.u32 s20, v0  }
0x15: {  	vm2 =	veq.s32 v14, v9;
	vm1 =	vlt.s32 v13, v10  }
0x16: {  	vm1 =	vmand vm1, vm2  }
0x17: {  	v9 =	vsel vm1, $0x1, v1  }
0x18: {  	(xrf0) =	vadd.scan.msk.s32 $0xffff, v9;
	_ =	sdelay $0x4  }
0x19: {  	s19 =	sadd.s32 @p0 $0x10, s19  }
0x1a: {  	s18 =	smov.u32 @p0 s19;
	v9, _, _ =	vpop (xrf0)  }
0x1b: {  	v10 =	vld [tilespmem:s18+$0x0];
	v9 =	vadd.s32 v12, v9  }
0x1c: {  	vm2 =	vgt.s32 v9, v11  }
0x1d: {  	vm1 =	vmand vm1, vm2;
	_ =	sdelay $0x5  }
0x1e: {  	[tilespmem:v10+s4+$0x0] =	vst.idx.msk vm1, v8  }
.LBB2_31:
0x1f: {  	s16 =	sadd.s32 $0x1, s16  }
0x20: {  	p0 =	sne.s32 s16, $0x4  }
.Ltmp3:
0x21: {  	s17 =	sadd.s32 s2, s17;
	(pc) =	sbr.rel @!p0 .LBB2_32-.Ltmp3, $4  }
0x22: {  	[hbm4b:s17+s7] =	stream.strided.scatter [tilespmem:s4], [sflag:$0x1], $0x8000, s8, s7, $0x38;
	[tilespmem:$0x1C080] =	vst v63  }
0x23: {  	_ =	swait.ge [sflag:s9], $0x8000  }
0x24: {  	[sflag:s9] =	ssyncset.done $0x0  }
0x25: {  	[sflag:s9] =	ssyncadd.s32 $0xFFFF8000  }
.LBB2_2:
0x26: {  	s17 =	sshll.u32 s16, $0x4  }
0x27: {  	s17 =	sadd.s32 s5, s17  }
0x28: {  	s18 =	sadd.s32 s1, s17  }
0x29: {  	[tilespmem:s4], [sflag:$0x1] =	stream.strided.gather [hbm4b:s18+s7], $0x8000, s8, s7, $0x38;
	[tilespmem:$0x1C080] =	vst v63  }
0x2a: {  	_ =	swait.ge [sflag:s9], $0x8000  }
0x2b: {  	[sflag:s9] =	ssyncset.done $0x0  }
0x2c: {  	s18 =	simm.s32 $0x8040;
	[sflag:s9] =	ssyncadd.s32 $0xFFFF8000  }
0x2d: {  	[tilespmem:s18+$0xFFFFFFC0] =	vst v1  }
0x2e: {  	[tilespmem:s18+$0x30] =	vst v1  }
0x2f: {  	[tilespmem:s18+$0x20] =	vst v1  }
0x30: {  	[tilespmem:s18+$0x10] =	vst v1  }
0x31: {  	[tilespmem:s18+$0x0] =	vst v1  }
0x32: {  	[tilespmem:s18+$0xFFFFFFF0] =	vst v1  }
0x33: {  	s20 =	simm.s32 $0x0;
	[tilespmem:s18+$0xFFFFFFE0] =	vst v1  }
.LBB2_3:
0x34: {  	s20 =	sadd.s32 $0x8, s20;
	[tilespmem:s18+$0xFFFFFFD0] =	vst v1;
	s18 =	sadd.s32 $0x80, s18;
	s19 =	simm.s32 $0x40  }
0x35: {  	[tilespmem:s18+$0xFFFFFFC0] =	vst v1;
	p0 =	slt.u32 s20, $0x3F8  }
0x36: {  	[tilespmem:s18+$0x30] =	vst v1  }
.Ltmp4:
0x37: {  	[tilespmem:s18+$0x20] =	vst v1;
	(pc) =	sbr.rel @p0 .LBB2_3-.Ltmp4, $4  }
0x38: {  	[tilespmem:s18+$0x10] =	vst v1  }
0x39: {  	[tilespmem:s18+$0x0] =	vst v1  }
0x3a: {  	[tilespmem:s18+$0xFFFFFFF0] =	vst v1  }
0x3b: {  	[tilespmem:s18+$0xFFFFFFE0] =	vst v1  }
0x3c: {  	[tilespmem:s18+$0xFFFFFFD0] =	vst v1  }
0x3d: {  	v9 =	vld [tilespmem:s19+$0x30]  }
0x3e: {  	v10 =	vld [tilespmem:s19+$0xFFFFFFD0]  }
0x3f: {  	v11 =	vld [tilespmem:s19+$0xFFFFFFE0]  }
0x40: {  	v13 =	vld [tilespmem:s19+$0x0]  }
0x41: {  	v14 =	vld [tilespmem:s19+$0x10]  }
0x42: {  	v17 =	vld [tilespmem:s19+$0x20];
	_ =	sdelay $0x2  }
0x43: {  	v12 =	vld [tilespmem:s19+$0xFFFFFFF0];
	v15 =	vshra.s32 v9, $0x1F;
	v16 =	vshra.s32 v10, $0x1F;
	v19 =	vshra.s32 v11, $0x1F  }
0x44: {  	v18 =	vld [tilespmem:s19+$0xFFFFFFC0];
	v20 =	vshra.s32 v13, $0x1F;
	v22 =	vshra.s32 v14, $0x1F;
	v15 =	vor.u32 $0x80000000, v15  }
0x45: {  	v23 =	vshra.s32 v17, $0x1F;
	v16 =	vor.u32 $0x80000000, v16;
	v9 =	vxor.u32 v9, v15  }
0x46: {  	v20 =	vor.u32 $0x80000000, v20;
	v22 =	vor.u32 $0x80000000, v22;
	v9 =	vshrl.u32 v9, $0x16  }
0x47: {  	v23 =	vor.u32 $0x80000000, v23;
	v15 =	vor.u32 $0x80000000, v19;
	v21 =	vand.u32 $0x380, v9  }
0x48: {  	v19 =	vshra.s32 v12, $0x1F;
	v9 =	vand.u32 $0x7F, v9;
	v21 =	vor.u32 v2, v21  }
0x49: {  	v10 =	vxor.u32 v10, v16;
	v21 =	vor.u32 v9, v21;
	v9 =	vshra.s32 v18, $0x1F  }
0x4a: {  	v16 =	vxor.u32 v13, v20;
	v17 =	vxor.u32 v17, v23;
	v9 =	vor.u32 $0x80000000, v9  }
0x4b: {  	v19 =	vor.u32 $0x80000000, v19;
	v11 =	vxor.u32 v11, v15;
	v9 =	vxor.u32 v18, v9  }
0x4c: {  	v15 =	vshrl.u32 v10, $0x16;
	v12 =	vxor.u32 v12, v19;
	v13 =	vshrl.u32 v9, $0x16  }
0x4d: {  	v9 =	vxor.u32 v14, v22;
	v14 =	vshrl.u32 v11, $0x16;
	v11 =	vshrl.u32 v12, $0x16  }
0x4e: {  	v12 =	vshrl.u32 v16, $0x16;
	v10 =	vshrl.u32 v9, $0x16;
	v9 =	vshrl.u32 v17, $0x16  }
0x4f: {  	v16 =	vand.u32 $0x380, v13;
	v17 =	vand.u32 $0x380, v15;
	v19 =	vand.u32 $0x380, v14  }
0x50: {  	v23 =	vand.u32 $0x380, v11;
	v24 =	vand.u32 $0x380, v12;
	v20 =	vand.u32 $0x380, v10  }
0x51: {  	s21 =	simm.s32 $0x0;
	[tilespmem:v21+s10+$0x0] =	vst.idx.add.s32.msk $0xffff, v3;
	v18 =	vor.u32 v2, v16;
	v17 =	vor.u32 v2, v17;
	v22 =	vand.u32 $0x380, v9  }
0x52: {  	s20 =	simm.s32 $0x10;
	s22 =	simm.s32 $0xC0;
	s19 =	simm.s32 $0x8010;
	v21 =	vor.u32 v2, v19;
	v19 =	vor.u32 v2, v23;
	v16 =	vor.u32 v2, v24  }
.LBB2_5:
0x53: {  	v23 =	vld [tilespmem:s22+$0x30];
	s21 =	sadd.s32 $0x8, s21;
	v13 =	vand.u32 $0x7F, v13;
	v20 =	vor.u32 v2, v20;
	v22 =	vor.u32 v2, v22  }
0x54: {  	v15 =	vand.u32 $0x7F, v15;
	v14 =	vand.u32 $0x7F, v14;
	v11 =	vand.u32 $0x7F, v11;
	v24 =	vld [tilespmem:s22+$0xFFFFFFD0];
	p0 =	slt.u32 s21, $0x7F8  }
0x55: {  	v12 =	vand.u32 $0x7F, v12;
	v10 =	vand.u32 $0x7F, v10;
	v9 =	vand.u32 $0x7F, v9;
	v25 =	vld [tilespmem:s22+$0xFFFFFFE0]  }
0x56: {  	v13 =	vor.u32 v13, v18;
	v15 =	vor.u32 v15, v17;
	v14 =	vor.u32 v14, v21;
	v26 =	vld [tilespmem:s22+$0xFFFFFFF0]  }
0x57: {  	v11 =	vor.u32 v11, v19;
	v12 =	vor.u32 v12, v16;
	v10 =	vor.u32 v10, v20;
	v17 =	vld [tilespmem:s22+$0x0]  }
0x58: {  	v9 =	vor.u32 v9, v22;
	v16 =	vld [tilespmem:s22+$0x10];
	v18 =	vshra.s32 v23, $0x1F  }
0x59: {  	v19 =	vshra.s32 v24, $0x1F;
	v20 =	vld [tilespmem:s22+$0x20];
	v18 =	vor.u32 $0x80000000, v18  }
0x5a: {  	v21 =	vld [tilespmem:s22+$0xFFFFFFC0];
	v19 =	vor.u32 $0x80000000, v19;
	v22 =	vshra.s32 v25, $0x1F;
	v18 =	vxor.u32 v23, v18  }
0x5b: {  	v22 =	vor.u32 $0x80000000, v22;
	v23 =	vshra.s32 v26, $0x1F;
	v18 =	vshrl.u32 v18, $0x16;
	[tilespmem:v13+s10+$0x0] =	vst.idx.add.s32.msk $0xffff, v3  }
0x5c: {  	v13 =	vor.u32 $0x80000000, v23;
	v23 =	vshra.s32 v17, $0x1F;
	v27 =	vand.u32 $0x380, v18;
	[tilespmem:v15+s10+$0x0] =	vst.idx.add.s32.msk $0xffff, v3  }
0x5d: {  	v18 =	vand.u32 $0x7F, v18;
	v15 =	vshra.s32 v16, $0x1F;
	v27 =	vor.u32 v2, v27;
	[tilespmem:v14+s10+$0x0] =	vst.idx.add.s32.msk $0xffff, v3  }
0x5e: {  	v14 =	vor.u32 $0x80000000, v23;
	v23 =	vshra.s32 v20, $0x1F;
	v18 =	vor.u32 v18, v27;
	[tilespmem:v11+s10+$0x0] =	vst.idx.add.s32.msk $0xffff, v3  }
0x5f: {  	v15 =	vor.u32 $0x80000000, v15;
	v11 =	vshra.s32 v21, $0x1F;
	v23 =	vor.u32 $0x80000000, v23;
	[tilespmem:v12+s10+$0x0] =	vst.idx.add.s32.msk $0xffff, v3  }
0x60: {  	v12 =	vxor.u32 v24, v19;
	v19 =	vxor.u32 v25, v22;
	v11 =	vor.u32 $0x80000000, v11;
	[tilespmem:v10+s10+$0x0] =	vst.idx.add.s32.msk $0xffff, v3  }
0x61: {  	v17 =	vxor.u32 v17, v14;
	v10 =	vxor.u32 v21, v11;
	v11 =	vxor.u32 v26, v13  }
0x62: {  	v13 =	vshrl.u32 v10, $0x16;
	v10 =	vxor.u32 v16, v15;
	v16 =	vxor.u32 v20, v23;
	[tilespmem:v9+s10+$0x0] =	vst.idx.add.s32.msk $0xffff, v3  }
0x63: {  	s18 =	simm.s32 $0x0;
	v14 =	vshrl.u32 v19, $0x16;
	v15 =	vshrl.u32 v12, $0x16;
	v11 =	vshrl.u32 v11, $0x16;
	[tilespmem:v18+s10+$0x0] =	vst.idx.add.s32.msk $0xffff, v3  }
.Ltmp5:
0x64: {  	v12 =	vshrl.u32 v17, $0x16;
	v10 =	vshrl.u32 v10, $0x16;
	v9 =	vshrl.u32 v16, $0x16;
	(pc) =	sbr.rel @p0 .LBB2_5-.Ltmp5, $4  }
0x65: {  	v19 =	vand.u32 $0x380, v14;
	v16 =	vand.u32 $0x380, v13;
	v17 =	vand.u32 $0x380, v15  }
0x66: {  	v23 =	vand.u32 $0x380, v11;
	v24 =	vand.u32 $0x380, v12;
	v20 =	vand.u32 $0x380, v10  }
0x67: {  	v18 =	vor.u32 v2, v16;
	v17 =	vor.u32 v2, v17;
	v22 =	vand.u32 $0x380, v9  }
0x68: {  	s22 =	sadd.s32 $0x80, s22;
	v21 =	vor.u32 v2, v19;
	v19 =	vor.u32 v2, v23;
	v16 =	vor.u32 v2, v24  }
0x69: {  	v13 =	vand.u32 $0x7F, v13  }
0x6a: {  	v15 =	vand.u32 $0x7F, v15;
	v13 =	vor.u32 v13, v18  }
0x6b: {  	v14 =	vand.u32 $0x7F, v14;
	v15 =	vor.u32 v15, v17  }
0x6c: {  	v11 =	vand.u32 $0x7F, v11;
	v14 =	vor.u32 v14, v21  }
0x6d: {  	v12 =	vand.u32 $0x7F, v12;
	v11 =	vor.u32 v11, v19  }
0x6e: {  	v56 =	vor.u32 v2, v20;
	v10 =	vand.u32 $0x7F, v10;
	v12 =	vor.u32 v12, v16  }
0x6f: {  	v57 =	vor.u32 v2, v22;
	v9 =	vand.u32 $0x7F, v9;
	v10 =	vor.u32 v10, v56;
	[tilespmem:v13+s10+$0x0] =	vst.idx.add.s32.msk $0xffff, v3  }
0x70: {  	v9 =	vor.u32 v9, v57;
	[tilespmem:v15+s10+$0x0] =	vst.idx.add.s32.msk $0xffff, v3  }
0x71: {  	[tilespmem:v14+s10+$0x0] =	vst.idx.add.s32.msk $0xffff, v3  }
0x72: {  	[tilespmem:v11+s10+$0x0] =	vst.idx.add.s32.msk $0xffff, v3  }
0x73: {  	[tilespmem:v12+s10+$0x0] =	vst.idx.add.s32.msk $0xffff, v3  }
0x74: {  	[tilespmem:v10+s10+$0x0] =	vst.idx.add.s32.msk $0xffff, v3  }
0x75: {  	s21 =	simm.s32 $0x0;
	[tilespmem:v9+s10+$0x0] =	vst.idx.add.s32.msk $0xffff, v3  }
0x76: {  	s21 =	sand.u32 $0x3E0, s21;
	v9 =	vld [tilespmem:s19+$0xFFFFFFF0]  }
0x77: {  	v10 =	vld [tilespmem:s21+$0x8400]  }
0x78: {  	v11 =	vld [tilespmem:s21+$0x8800]  }
0x79: {  	v12 =	vld [tilespmem:s21+$0x8C00]  }
0x7a: {  	v13 =	vld [tilespmem:s21+$0x9000]  }
0x7b: {  	v14 =	vld [tilespmem:s21+$0x9400]  }
0x7c: {  	v15 =	vld [tilespmem:s21+$0x9800]  }
0x7d: {  	v58 =	vld [tilespmem:s21+$0x9C00]  }
0x7e: {  	v59 =	vld [tilespmem:s21+$0xA000]  }
0x7f: {  	s23 =	sand.u32 $0x3F0, s20;
	v60 =	vld [tilespmem:s21+$0xBC00];
	v9 =	vadd.s32 v9, v10  }
0x80: {  	v61 =	vld [tilespmem:s23+$0x8400];
	v9 =	vadd.s32 v11, v9  }
0x81: {  	v10 =	vld [tilespmem:s21+$0xA400];
	v9 =	vadd.s32 v12, v9  }
0x82: {  	v11 =	vld [tilespmem:s21+$0xA800];
	v9 =	vadd.s32 v13, v9  }
0x83: {  	v12 =	vld [tilespmem:s21+$0xAC00];
	v9 =	vadd.s32 v14, v9  }
0x84: {  	v13 =	vld [tilespmem:s21+$0xB000];
	v9 =	vadd.s32 v15, v9  }
0x85: {  	v14 =	vld [tilespmem:s21+$0xB400];
	v9 =	vadd.s32 v58, v9  }
0x86: {  	v15 =	vld [tilespmem:s21+$0xB800];
	v9 =	vadd.s32 v59, v9  }
0x87: {  	v9 =	vadd.s32 v10, v9;
	v10 =	vld [tilespmem:s19+$0x0]  }
0x88: {  	v9 =	vadd.s32 v11, v9;
	v11 =	vld [tilespmem:s23+$0x8800]  }
0x89: {  	v9 =	vadd.s32 v12, v9;
	v12 =	vld [tilespmem:s23+$0x8C00]  }
0x8a: {  	v9 =	vadd.s32 v13, v9;
	v13 =	vld [tilespmem:s23+$0x9000]  }
0x8b: {  	v9 =	vadd.s32 v14, v9;
	v14 =	vld [tilespmem:s23+$0x9400]  }
0x8c: {  	v9 =	vadd.s32 v15, v9;
	v10 =	vadd.s32 v10, v61;
	v15 =	vld [tilespmem:s23+$0x9800]  }
0x8d: {  	v62 =	vmov s18;
	v63 =	vld [tilespmem:s23+$0x9C00];
	v9 =	vadd.s32 v60, v9;
	v10 =	vadd.s32 v11, v10  }
0x8e: {  	v11 =	vand.u32 $0xFFFFFFFE, v62;
	(xrf0) =	vadd.scan.msk.s32 $0xffff, v9;
	v9 =	vadd.s32 v12, v10;
	v10 =	vld [tilespmem:s23+$0xA000]  }
0x8f: {  	v16 =	vbroadcast v11, $0x0;
	v9 =	vadd.s32 v13, v9;
	v13 =	vld [tilespmem:s23+$0xA400]  }
0x90: {  	v9 =	vadd.s32 v14, v9;
	v14 =	vld [tilespmem:s23+$0xA800]  }
0x91: {  	v11 =	vld [tilespmem:s23+$0xAC00];
	v9 =	vadd.s32 v15, v9  }
0x92: {  	v12 =	vld [tilespmem:s23+$0xB000];
	v9 =	vadd.s32 v63, v9  }
0x93: {  	v10 =	vadd.s32 v10, v9;
	v9 =	vld [tilespmem:s23+$0xB400]  }
0x94: {  	s20 =	simm.s32 $0x30;
	s24 =	simm.s32 $0x20;
	v15, _, _ =	vpop (xrf0);
	v13 =	vadd.s32 v13, v10;
	v10 =	vld [tilespmem:s23+$0xB800]  }
0x95: {  	s22 =	simm.s32 $0x4;
	s21 =	simm.s32 $0x8030;
	s19 =	simm.s32 $0x2;
	[tilespmem:v16+s11+$0x0] =	vst.idx.msk vm0, v15;
	v14 =	vadd.s32 v14, v13;
	v13 =	vld [tilespmem:s23+$0xBC00]  }
.LBB2_7:
0x96: {  	p0 =	slt.u32 s22, $0x3E;
	v15 =	vld [tilespmem:s21+$0xFFFFFFF0];
	s24 =	sand.u32 $0x3E0, s24;
	s23 =	sand.u32 $0x3F0, s20;
	v11 =	vadd.s32 v11, v14  }
0x97: {  	v14 =	vld [tilespmem:s24+$0x8400];
	v11 =	vadd.s32 v12, v11  }
0x98: {  	v12 =	vld [tilespmem:s24+$0x8800];
	v9 =	vadd.s32 v9, v11  }
0x99: {  	v11 =	vld [tilespmem:s24+$0x8C00];
	v9 =	vadd.s32 v10, v9  }
0x9a: {  	v10 =	vld [tilespmem:s24+$0x9000];
	v9 =	vadd.s32 v13, v9  }
0x9b: {  	v13 =	vld [tilespmem:s24+$0x9400];
	(xrf0) =	vadd.scan.msk.s32 $0xffff, v9  }
0x9c: {  	s25 =	sadd.s32 $0x1, s18;
	s18 =	smov.u32 s19;
	s19 =	smov.u32 s22;
	v9 =	vadd.s32 v15, v14;
	v14 =	vld [tilespmem:s24+$0x9800]  }
0x9d: {  	v15 =	vmov s25;
	v9 =	vadd.s32 v12, v9;
	v12 =	vld [tilespmem:s24+$0x9C00]  }
0x9e: {  	v9 =	vadd.s32 v11, v9;
	v11 =	vld [tilespmem:s24+$0xA000]  }
0x9f: {  	v9 =	vadd.s32 v10, v9;
	v10 =	vld [tilespmem:s24+$0xA400]  }
0xa0: {  	v9 =	vadd.s32 v13, v9;
	v13 =	vld [tilespmem:s24+$0xA800]  }
0xa1: {  	v9 =	vadd.s32 v14, v9;
	v14 =	vld [tilespmem:s24+$0xAC00];
	v16, _, _ =	vpop (xrf0)  }
0xa2: {  	v9 =	vadd.s32 v12, v9;
	v12 =	vld [tilespmem:s24+$0xB000];
	[tilespmem:v15+s11+$0x0] =	vst.idx.msk vm0, v16  }
0xa3: {  	v9 =	vadd.s32 v11, v9;
	v11 =	vld [tilespmem:s24+$0xB400]  }
0xa4: {  	v9 =	vadd.s32 v10, v9;
	v10 =	vld [tilespmem:s24+$0xB800]  }
0xa5: {  	v9 =	vadd.s32 v13, v9;
	v13 =	vld [tilespmem:s24+$0xBC00]  }
0xa6: {  	v9 =	vadd.s32 v14, v9;
	v14 =	vld [tilespmem:s23+$0x8400]  }
0xa7: {  	v9 =	vadd.s32 v12, v9;
	v12 =	vld [tilespmem:s21+$0x0]  }
0xa8: {  	v9 =	vadd.s32 v11, v9;
	v11 =	vld [tilespmem:s23+$0x8800]  }
0xa9: {  	v9 =	vadd.s32 v10, v9;
	v10 =	vld [tilespmem:s23+$0x8C00]  }
0xaa: {  	v9 =	vadd.s32 v13, v9;
	v13 =	vmov s18;
	v15 =	vld [tilespmem:s23+$0x9000]  }
0xab: {  	v13 =	vand.u32 $0xFFFFFFFE, v13;
	v16 =	vld [tilespmem:s23+$0x9400];
	(xrf0) =	vadd.scan.msk.s32 $0xffff, v9  }
0xac: {  	v9 =	vbroadcast v13, $0x0;
	v12 =	vadd.s32 v12, v14;
	v13 =	vld [tilespmem:s23+$0x9800]  }
0xad: {  	v11 =	vadd.s32 v11, v12;
	v12 =	vld [tilespmem:s23+$0x9C00]  }
0xae: {  	v10 =	vadd.s32 v10, v11;
	v14 =	vld [tilespmem:s23+$0xA000]  }
0xaf: {  	v10 =	vadd.s32 v15, v10;
	v15 =	vld [tilespmem:s23+$0xA400]  }
0xb0: {  	v10 =	vadd.s32 v16, v10;
	v16 =	vld [tilespmem:s23+$0xA800]  }
.Ltmp6:
0xb1: {  	v10 =	vadd.s32 v13, v10;
	v11 =	vld [tilespmem:s23+$0xAC00];
	v13, _, _ =	vpop (xrf0);
	(pc) =	sbr.rel @p0 .LBB2_7-.Ltmp6, $4  }
0xb2: {  	[tilespmem:v9+s11+$0x0] =	vst.idx.msk vm0, v13;
	v9 =	vadd.s32 v12, v10;
	v12 =	vld [tilespmem:s23+$0xB000]  }
0xb3: {  	v10 =	vadd.s32 v14, v9;
	v9 =	vld [tilespmem:s23+$0xB400]  }
0xb4: {  	s20 =	sadd.s32 $0x20, s20;
	v13 =	vadd.s32 v15, v10;
	v10 =	vld [tilespmem:s23+$0xB800]  }
0xb5: {  	s22 =	sadd.s32 $0x2, s22;
	s24 =	sadd.s32 $0xFFFFFFF0, s20;
	s21 =	sadd.s32 $0x20, s21;
	v14 =	vadd.s32 v16, v13;
	v13 =	vld [tilespmem:s23+$0xBC00]  }
0xb6: {  	v15 =	vld [tilespmem:s21+$0xFFFFFFF0]  }
0xb7: {  	s22 =	sand.u32 $0x3E0, s24;
	v32 =	vld [tilespmem:s21+$0x0]  }
0xb8: {  	v16 =	vld [tilespmem:s22+$0x8400]  }
0xb9: {  	v17 =	vld [tilespmem:s22+$0x8800]  }
0xba: {  	v18 =	vld [tilespmem:s22+$0x8C00]  }
0xbb: {  	v19 =	vld [tilespmem:s22+$0x9000]  }
0xbc: {  	v20 =	vld [tilespmem:s22+$0x9400]  }
0xbd: {  	v21 =	vld [tilespmem:s22+$0x9800]  }
0xbe: {  	v22 =	vld [tilespmem:s22+$0x9C00]  }
0xbf: {  	v23 =	vld [tilespmem:s22+$0xA000]  }
0xc0: {  	v24 =	vld [tilespmem:s22+$0xA400]  }
0xc1: {  	v25 =	vld [tilespmem:s22+$0xA800]  }
0xc2: {  	v26 =	vld [tilespmem:s22+$0xAC00]  }
0xc3: {  	v27 =	vld [tilespmem:s22+$0xB000]  }
0xc4: {  	v28 =	vld [tilespmem:s22+$0xB400]  }
0xc5: {  	v29 =	vld [tilespmem:s22+$0xB800]  }
0xc6: {  	s20 =	sand.u32 $0x3F0, s20;
	v30 =	vld [tilespmem:s22+$0xBC00]  }
0xc7: {  	v31 =	vld [tilespmem:s20+$0x8400]  }
0xc8: {  	v33 =	vld [tilespmem:s20+$0x8800]  }
0xc9: {  	v34 =	vld [tilespmem:s20+$0x8C00]  }
0xca: {  	v35 =	vld [tilespmem:s20+$0x9000]  }
0xcb: {  	v15 =	vadd.s32 v15, v16;
	v16 =	vld [tilespmem:s20+$0x9400]  }
0xcc: {  	v15 =	vadd.s32 v17, v15;
	v17 =	vadd.s32 v32, v31;
	v31 =	vld [tilespmem:s20+$0x9800]  }
0xcd: {  	v15 =	vadd.s32 v18, v15;
	v17 =	vadd.s32 v33, v17;
	v18 =	vld [tilespmem:s20+$0x9C00]  }
0xce: {  	v15 =	vadd.s32 v19, v15;
	v17 =	vadd.s32 v34, v17;
	v19 =	vld [tilespmem:s20+$0xA000]  }
0xcf: {  	v15 =	vadd.s32 v20, v15;
	v17 =	vadd.s32 v35, v17;
	v20 =	vld [tilespmem:s20+$0xA400]  }
0xd0: {  	v15 =	vadd.s32 v21, v15;
	v16 =	vadd.s32 v16, v17;
	v17 =	vld [tilespmem:s20+$0xA800]  }
0xd1: {  	v21 =	vld [tilespmem:s20+$0xAC00];
	v15 =	vadd.s32 v22, v15;
	v16 =	vadd.s32 v31, v16  }
0xd2: {  	v15 =	vadd.s32 v23, v15;
	v16 =	vadd.s32 v18, v16;
	v18 =	vld [tilespmem:s20+$0xB000]  }
0xd3: {  	v15 =	vadd.s32 v24, v15;
	v16 =	vadd.s32 v19, v16;
	v19 =	vld [tilespmem:s20+$0xB400]  }
0xd4: {  	v11 =	vadd.s32 v11, v14;
	v14 =	vadd.s32 v25, v15;
	v15 =	vadd.s32 v20, v16;
	v16 =	vld [tilespmem:s20+$0xB800]  }
0xd5: {  	v11 =	vadd.s32 v12, v11;
	v12 =	vadd.s32 v26, v14;
	v14 =	vadd.s32 v17, v15;
	v15 =	vld [tilespmem:s20+$0xBC00]  }
0xd6: {  	v9 =	vadd.s32 v9, v11;
	v11 =	vadd.s32 v27, v12;
	v12 =	vadd.s32 v21, v14  }
0xd7: {  	v9 =	vadd.s32 v10, v9;
	v10 =	vadd.s32 v28, v11;
	v11 =	vadd.s32 v18, v12  }
0xd8: {  	v9 =	vadd.s32 v13, v9;
	v10 =	vadd.s32 v29, v10;
	v11 =	vadd.s32 v19, v11  }
0xd9: {  	(xrf0) =	vadd.scan.msk.s32 $0xffff, v9;
	v9 =	vadd.s32 v30, v10;
	v10 =	vmov s19;
	v11 =	vadd.s32 v16, v11  }
0xda: {  	s18 =	sadd.s32 $0x1, s18;
	v10 =	vand.u32 $0xFFFFFFFE, v10;
	(xrf0) =	vadd.scan.msk.s32 $0xffff, v9;
	v9 =	vadd.s32 v15, v11  }
0xdb: {  	v11 =	vmov s18;
	v10 =	vbroadcast v10, $0x0;
	(xrf0) =	vadd.scan.msk.s32 $0xffff, v9  }
0xdc: {  	s25 =	sadd.s32 $0x1, s19  }
0xdd: {  	v9 =	vmov s25;
	_ =	sdelay $0x1  }
0xde: {  	v12, _, _ =	vpop (xrf0)  }
0xdf: {  	[tilespmem:v11+s11+$0x0] =	vst.idx.msk vm0, v12;
	v11, _, _ =	vpop (xrf0)  }
0xe0: {  	[tilespmem:v10+s11+$0x0] =	vst.idx.msk vm0, v11;
	v10, _, _ =	vpop (xrf0)  }
0xe1: {  	[tilespmem:v9+s11+$0x0] =	vst.idx.msk vm0, v10  }
0xe2: {  	v9 =	vld [tilespmem:$0xC000]  }
0xe3: {  	v10 =	vld [tilespmem:$0xC010]  }
0xe4: {  	v11 =	vld [tilespmem:$0xC020]  }
0xe5: {  	v12 =	vld [tilespmem:$0xC030];
	_ =	sdelay $0x1  }
0xe6: {  	v13 =	vperm.xlane v9, v4  }
0xe7: {  	v14 =	vperm.xlane v10, v4  }
0xe8: {  	(xrf0) =	vadd.scan.msk.s32 $0xffff, v13;
	v13 =	vperm.xlane v11, v4  }
0xe9: {  	(xrf0) =	vadd.scan.msk.s32 $0xffff, v14;
	v14 =	vperm.xlane v12, v4  }
0xea: {  	(xrf0) =	vadd.scan.msk.s32 $0xffff, v13  }
0xeb: {  	(xrf0) =	vadd.scan.msk.s32 $0xffff, v14;
	_ =	sdelay $0x2  }
0xec: {  	v13, _, _ =	vpop (xrf0)  }
0xed: {  	v14, _, _ =	vpop (xrf0)  }
0xee: {  	v14 =	vperm.xlane v14, v4;
	v15, _, _ =	vpop (xrf0)  }
0xef: {  	v15 =	vperm.xlane v15, v4;
	v16, _, _ =	vpop (xrf0)  }
0xf0: {  	v16 =	vperm.xlane v16, v4;
	(v2sf) =	vpush v14, $0x0  }
0xf1: {  	(v2sf) =	vpush v15, $0x0  }
0xf2: {  	(v2sf) =	vpush v16, $0x0;
	_ =	sdelay $0xc  }
0xf3: {  	s26 =	spop (v2sf)  }
0xf4: {  	v17 =	vbroadcast v16, $0x0;
	s28 =	spop (v2sf)  }
0xf5: {  	s29 =	spop (v2sf)  }
0xf6: {  	v13 =	vperm.xlane v13, v4;
	vm1 =	vgt.s32 v16, $0xFF;
	v15 =	vadd.s32 v15, v17;
	s19 =	sadd.s32 s28, s29  }
0xf7: {  	v16 =	vmpcnt.ones.xlane vm1;
	vm1 =	vgt.s32 v15, $0xFF;
	v14 =	vadd.s32 s19, v14;
	s18 =	sadd.s32 s26, s19  }
0xf8: {  	v15 =	vmpcnt.ones.xlane vm1;
	vm1 =	vgt.s32 v14, $0xFF;
	v13 =	vadd.s32 s18, v13  }
0xf9: {  	v14 =	vmpcnt.ones.xlane vm1;
	vm1 =	vgt.s32 v13, $0xFF  }
0xfa: {  	v13 =	vadd.s32 v16, v15;
	v15 =	vmpcnt.ones.xlane vm1  }
0xfb: {  	v13 =	vadd.s32 v14, v13  }
0xfc: {  	v13 =	vadd.s32 v15, v13  }
0xfd: {  	v13 =	vxor.u32 $0x80000000, v13  }
0xfe: {  	(xrf0) =	vmax.scan.msk.u32 $0xffff, v13;
	_ =	sdelay $0x5  }
0xff: {  	v13, _, _ =	vpop (xrf0)  }
0x100: {  	(v2sf) =	vpush v13, $0xF;
	_ =	sdelay $0xe  }
0x101: {  	s30 =	spop (v2sf)  }
0x102: {  	s31 =	sadd.s32 $0x7FFFFFFF, s30  }
0x103: {  	s18 =	sshll.u32 s31, $0x4  }
0x104: {  	v13 =	vld [tilespmem:s18+$0x8000]  }
0x105: {  	v14 =	vld [tilespmem:s18+$0x8400]  }
0x106: {  	v15 =	vmov s31;
	v16 =	vld [tilespmem:s18+$0x8800]  }
0x107: {  	vm1 =	vlt.s32 v15, v0;
	v17 =	vld [tilespmem:s18+$0x8C00]  }
0x108: {  	v18 =	vld [tilespmem:s18+$0x9000];
	v9 =	vnsel vm1, $0x0, v9;
	vm1 =	vlt.s32 v15, v5  }
0x109: {  	(xrf0) =	vadd.scan.msk.s32 $0xffff, v9;
	v9 =	vnsel vm1, $0x0, v10;
	vm1 =	vlt.s32 v15, v6;
	v10 =	vld [tilespmem:s18+$0x9400]  }
0x10a: {  	(xrf0) =	vadd.scan.msk.s32 $0xffff, v9;
	v9 =	vnsel vm1, $0x0, v11;
	vm1 =	vlt.s32 v15, v7;
	v11 =	vadd.s32 v13, v14;
	v13 =	vld [tilespmem:s18+$0x9800]  }
0x10b: {  	(xrf0) =	vadd.scan.msk.s32 $0xffff, v9;
	v9 =	vnsel vm1, $0x0, v12;
	v12 =	vld [tilespmem:s18+$0x9C00];
	v11 =	vadd.s32 v16, v11  }
0x10c: {  	(xrf0) =	vadd.scan.msk.s32 $0xffff, v9;
	v9 =	vadd.s32 v17, v11;
	v11 =	vld [tilespmem:s18+$0xA000]  }
0x10d: {  	v14 =	vld [tilespmem:s18+$0xA400];
	v9 =	vadd.s32 v18, v9  }
0x10e: {  	v9 =	vadd.s32 v10, v9;
	v10 =	vld [tilespmem:s18+$0xA800]  }
0x10f: {  	v15, _, _ =	vpop (xrf0);
	v9 =	vadd.s32 v13, v9;
	v13 =	vld [tilespmem:s18+$0xAC00]  }
0x110: {  	(v2sf) =	vpush v15, $0xF;
	v15, _, _ =	vpop (xrf0);
	v9 =	vadd.s32 v12, v9;
	v12 =	vld [tilespmem:s18+$0xB000]  }
0x111: {  	(v2sf) =	vpush v15, $0xF;
	v15, _, _ =	vpop (xrf0);
	v9 =	vadd.s32 v11, v9;
	v11 =	vld [tilespmem:s18+$0xB400]  }
0x112: {  	(v2sf) =	vpush v15, $0xF;
	v15, _, _ =	vpop (xrf0);
	v9 =	vadd.s32 v14, v9;
	v14 =	vld [tilespmem:s18+$0xB800]  }
0x113: {  	(v2sf) =	vpush v15, $0xF;
	v9 =	vadd.s32 v10, v9;
	v10 =	vld [tilespmem:s18+$0xBC00]  }
0x114: {  	v9 =	vadd.s32 v13, v9  }
0x115: {  	v9 =	vadd.s32 v12, v9  }
0x116: {  	v9 =	vadd.s32 v11, v9  }
0x117: {  	v9 =	vadd.s32 v14, v9  }
0x118: {  	v10 =	vadd.s32 v10, v9  }
0x119: {  	v9 =	vperm.xlane v10, v4;
	_ =	sdelay $0x1  }
0x11a: {  	(xrf0) =	vadd.scan.msk.s32 $0xffff, v9;
	_ =	sdelay $0x1  }
0x11b: {  	s24 =	simm.s32 $0x40  }
0x11c: {  	v17 =	vld [tilespmem:s24+$0xFFFFFFD0]  }
0x11d: {  	v15 =	vld [tilespmem:s24+$0xFFFFFFE0];
	s20 =	spop (v2sf)  }
0x11e: {  	v13 =	vld [tilespmem:s24+$0xFFFFFFC0];
	s21 =	spop (v2sf)  }
0x11f: {  	v14 =	vld [tilespmem:s24+$0x30];
	s22 =	spop (v2sf);
	s19 =	sadd.s32 s21, s20;
	v9, _, _ =	vpop (xrf0)  }
0x120: {  	s31 =	simm.s32 $0x10;
	s19 =	sadd.s32 s22, s19;
	s23 =	spop (v2sf);
	v9 =	vperm.xlane v9, v4  }
0x121: {  	v20 =	vimm.s32 $0x0;
	v34 =	vor.u32 s31, v0;
	v16 =	vld [tilespmem:s24+$0x10];
	s19 =	sadd.s32 s23, s19  }
0x122: {  	v24 =	vshra.s32 v17, $0x1F;
	v22 =	vshra.s32 v15, $0x1F;
	v9 =	vadd.s32 s19, v9  }
0x123: {  	v22 =	vor.u32 $0x80000000, v22;
	v18 =	vshra.s32 v13, $0x1F;
	vm1 =	vgt.s32 v9, $0xFF  }
0x124: {  	v18 =	vor.u32 $0x80000000, v18;
	v19 =	vshra.s32 v14, $0x1F;
	v9 =	vmpcnt.ones.xlane vm1  }
0x125: {  	v59 =	vxor.u32 v15, v22;
	v13 =	vxor.u32 v13, v18;
	v19 =	vor.u32 $0x80000000, v19  }
0x126: {  	v18 =	vshra.s32 v16, $0x1F;
	v25 =	vxor.u32 v14, v19;
	v14 =	vld [tilespmem:s24+$0x0];
	v11 =	vadd.s32 $0xFFFFFFFF, v9  }
0x127: {  	v21 =	vld [tilespmem:s24+$0xFFFFFFF0];
	v18 =	vor.u32 $0x80000000, v18;
	v23 =	vshrl.u32 v25, $0x16;
	v12 =	vadd.s32 s18, v11  }
0x128: {  	v16 =	vxor.u32 v16, v18;
	v19 =	vshrl.u32 v13, $0x16;
	vm5 =	veq.s32 v23, v12  }
0x129: {  	vm2 =	veq.s32 v19, v12;
	v19 =	vor.u32 $0x80000000, v24;
	v24 =	vshrl.u32 v16, $0x16  }
0x12a: {  	v26 =	vld [tilespmem:s24+$0x20];
	v32 =	vand.u32 $0x3FFFFF, v59;
	v18 =	vsel vm5, $0x1, v1;
	vm6 =	veq.s32 v24, v12  }
0x12b: {  	v15 =	vshra.s32 v14, $0x1F;
	v19 =	vxor.u32 v17, v19;
	v17 =	vsel vm6, $0x1, v1;
	(xrf0) =	vadd.scan.msk.s32 $0xffff, v18  }
0x12c: {  	v15 =	vor.u32 $0x80000000, v15;
	v23 =	vshra.s32 v21, $0x1F;
	(xrf0) =	vadd.scan.msk.s32 $0xffff, v17;
	v17 =	vshrl.u32 v19, $0x16  }
0x12d: {  	v27 =	vmpcnt.ones.xlane vm2;
	v22 =	vsel vm2, $0x1, v1;
	vm7 =	veq.s32 v17, v12  }
0x12e: {  	v24 =	vshrl.u32 v59, $0x16;
	v23 =	vor.u32 $0x80000000, v23;
	(xrf0) =	vadd.scan.msk.s32 $0xffff, v22;
	v17 =	vmpcnt.ones.xlane vm7  }
0x12f: {  	v18 =	vxor.u32 v14, v15;
	v15 =	vshra.s32 v26, $0x1F;
	vm4 =	veq.s32 v24, v12  }
0x130: {  	v23 =	vxor.u32 v21, v23;
	v28 =	vadd.s32 v20, v27;
	v15 =	vor.u32 $0x80000000, v15  }
0x131: {  	v14 =	vshrl.u32 v18, $0x16;
	v24 =	vxor.u32 v26, v15;
	v29 =	vsel vm7, $0x1, v1  }
0x132: {  	v15 =	vshrl.u32 v23, $0x16;
	vm1 =	veq.s32 v14, v12;
	(xrf0) =	vadd.scan.msk.s32 $0xffff, v29;
	v27 =	vadd.s32 v28, v17;
	v17, _, _ =	vpop (xrf0)  }
0x133: {  	v25 =	vand.u32 $0x3FFFFF, v25;
	vm8 =	veq.s32 v15, v12;
	v15 =	vsel vm1, $0x1, v1;
	v21, _, _ =	vpop (xrf0)  }
0x134: {  	v16 =	vand.u32 $0x3FFFFF, v16;
	v61 =	vsel vm4, $0x1, v1;
	v29 =	vand.u32 $0x3FFFFF, v13;
	v13, _, _ =	vpop (xrf0);
	(xrf0) =	vadd.scan.msk.s32 $0xffff, v15  }
0x135: {  	s23 =	simm.s32 $0x20;
	v14 =	vmpcnt.ones.xlane vm4;
	v60 =	vshrl.u32 v24, $0x16;
	v62 =	vsel vm8, $0x1, v1  }
0x136: {  	v22 =	vmpcnt.ones.xlane vm6;
	v26 =	vor.u32 s23, v0;
	vm3 =	veq.s32 v60, v12;
	(xrf0) =	vadd.scan.msk.s32 $0xffff, v62  }
0x137: {  	s25 =	simm.s32 $0x60;
	s28 =	simm.s32 $0x50;
	v37 =	vsel vm3, $0x1, v1;
	v31 =	vadd.s32 v27, v14;
	v15 =	vadd.s32 v13, v20;
	(xrf0) =	vadd.scan.msk.s32 $0xffff, v61  }
0x138: {  	s26 =	simm.s32 $0x40;
	s20 =	simm.s32 $0x70;
	v14 =	vor.u32 s28, v0;
	v13 =	vor.u32 s25, v0;
	v36, _, _ =	vpop (xrf0);
	v30 =	vadd.s32 $0xFFFFFFFF, v15  }
0x139: {  	s29 =	simm.s32 $0x30;
	s30 =	simm.s32 $0x0;
	v20 =	vor.u32 s20, v0;
	v15 =	vor.u32 s26, v0;
	v63 =	vadd.s32 v36, v28  }
0x13a: {  	s21 =	simm.s32 $0x0;
	s22 =	simm.s32 $0xC0;
	v28 =	vor.u32 s29, v0;
	v36 =	vor.u32 s30, v0;
	v33 =	vadd.s32 $0xFFFFFFFF, v63;
	v35, _, _ =	vpop (xrf0);
	(xrf0) =	vadd.scan.msk.s32 $0xffff, v37  }
.LBB2_9:
0x13b: {  	v19 =	vand.u32 $0x3FFFFF, v19;
	v38 =	vand.u32 $0x3FFFFF, v18  }
0x13c: {  	v37 =	vld [tilespmem:s22+$0xFFFFFFC0];
	s21 =	sadd.s32 $0x8, s21;
	v18 =	vmpcnt.ones.xlane vm5;
	s20 =	sadd.s32 $0x80, s20;
	v39, _, _ =	vpop (xrf0);
	vm10 =	vmmov vm5;
	vm9 =	vmmov vm6  }
0x13d: {  	v24 =	vand.u32 $0x3FFFFF, v24;
	v40 =	vld [tilespmem:s22+$0x30];
	p0 =	slt.u32 s21, $0x7F8;
	[tilespmem:v30+s12+$0x0] =	vst.idx.msk vm2, v29;
	v29 =	vadd.s32 v39, v31;
	v39 =	vmpcnt.ones.xlane vm8;
	v41, _, _ =	vpop (xrf0)  }
0x13e: {  	v42 =	vld [tilespmem:s22+$0xFFFFFFE0];
	v27 =	vadd.s32 v41, v27;
	v29 =	vadd.s32 $0xFFFFFFFF, v29;
	v41 =	vmpcnt.ones.xlane vm1  }
0x13f: {  	v23 =	vand.u32 $0x3FFFFF, v23;
	v43 =	vld [tilespmem:s22+$0xFFFFFFD0];
	[tilespmem:v33+s12+$0x0] =	vst.idx.msk vm7, v19;
	v19 =	vadd.s32 $0xFFFFFFFF, v27;
	v44 =	vadd.s32 v31, v39  }
0x140: {  	v31 =	vld [tilespmem:s22+$0x10];
	[tilespmem:v30+s13+$0x0] =	vst.idx.msk vm2, v36;
	v30 =	vadd.s32 v35, v44;
	v41 =	vadd.s32 v44, v41;
	v35 =	vmpcnt.ones.xlane vm3  }
0x141: {  	v36 =	vshra.s32 v37, $0x1F;
	v39 =	vld [tilespmem:s22+$0x0];
	[tilespmem:v33+s13+$0x0] =	vst.idx.msk vm7, v34;
	v21 =	vadd.s32 v21, v41;
	v22 =	vadd.s32 v41, v22;
	v27, _, _ =	vpop (xrf0)  }
0x142: {  	v33 =	vor.u32 $0x80000000, v36;
	v34 =	vld [tilespmem:s22+$0xFFFFFFF0];
	v27 =	vadd.s32 v27, v22;
	v22 =	vadd.s32 v22, v35  }
0x143: {  	v36 =	vshra.s32 v40, $0x1F;
	v35 =	vshra.s32 v42, $0x1F;
	[tilespmem:v29+s12+$0x0] =	vst.idx.msk vm8, v23;
	v17 =	vadd.s32 v17, v22  }
0x144: {  	v33 =	vxor.u32 v37, v33;
	v23 =	vor.u32 $0x80000000, v36;
	[tilespmem:v29+s13+$0x0] =	vst.idx.msk vm8, v28;
	v28 =	vadd.s32 $0xFFFFFFFF, v27  }
0x145: {  	v36 =	vxor.u32 v40, v23;
	v17 =	vadd.s32 $0xFFFFFFFF, v17;
	v27 =	vshra.s32 v31, $0x1F;
	[tilespmem:v19+s12+$0x0] =	vst.idx.msk vm4, v32  }
0x146: {  	v23 =	vshrl.u32 v33, $0x16;
	v29 =	vor.u32 $0x80000000, v35;
	v32 =	vshrl.u32 v36, $0x16;
	[tilespmem:v19+s13+$0x0] =	vst.idx.msk vm4, v26  }
0x147: {  	v19 =	vshra.s32 v43, $0x1F;
	vm5 =	veq.s32 v32, v12;
	v26 =	vadd.s32 v22, v18  }
0x148: {  	vm2 =	veq.s32 v23, v12;
	v23 =	vadd.s32 $0xFFFFFFFF, v30;
	v18 =	vor.u32 $0x80000000, v27  }
0x149: {  	v27 =	vshra.s32 v34, $0x1F;
	v32 =	vxor.u32 v31, v18;
	v18 =	vsel vm5, $0x1, v1;
	[tilespmem:v28+s12+$0x0] =	vst.idx.msk vm3, v24  }
0x14a: {  	v30 =	vadd.s32 $0xFFFFFFFF, v21;
	v19 =	vor.u32 $0x80000000, v19;
	v22 =	vshrl.u32 v32, $0x16;
	v24 =	vld [tilespmem:s22+$0x20];
	(xrf0) =	vadd.scan.msk.s32 $0xffff, v18  }
0x14b: {  	v35 =	vxor.u32 v42, v29;
	vm6 =	veq.s32 v22, v12;
	v18 =	vmpcnt.ones.xlane vm2;
	[tilespmem:v17+s12+$0x0] =	vst.idx.msk vm10, v25  }
0x14c: {  	v21 =	vshra.s32 v39, $0x1F;
	v19 =	vxor.u32 v43, v19;
	v22 =	vsel vm6, $0x1, v1;
	[tilespmem:v17+s13+$0x0] =	vst.idx.msk vm10, v20  }
0x14d: {  	v17 =	vsel vm2, $0x1, v1;
	v25 =	vadd.s32 v26, v18;
	v18 =	vor.u32 $0x80000000, v21;
	(xrf0) =	vadd.scan.msk.s32 $0xffff, v22  }
0x14e: {  	v20 =	vshrl.u32 v19, $0x16;
	v21 =	vshrl.u32 v35, $0x16;
	v18 =	vxor.u32 v39, v18;
	[tilespmem:v23+s12+$0x0] =	vst.idx.msk vm1, v38  }
0x14f: {  	vm7 =	veq.s32 v20, v12;
	v20 =	vshrl.u32 v18, $0x16;
	v29 =	vshra.s32 v24, $0x1F;
	(xrf0) =	vadd.scan.msk.s32 $0xffff, v17  }
0x150: {  	vm4 =	veq.s32 v21, v12;
	v22 =	vmpcnt.ones.xlane vm6;
	v31 =	vmpcnt.ones.xlane vm7;
	v17, _, _ =	vpop (xrf0);
	[tilespmem:v23+s13+$0x0] =	vst.idx.msk vm1, v15  }
0x151: {  	v37 =	vor.u32 $0x80000000, v27;
	v15 =	vsel vm7, $0x1, v1;
	v29 =	vor.u32 $0x80000000, v29;
	[tilespmem:v30+s12+$0x0] =	vst.idx.msk vm9, v16  }
0x152: {  	v27 =	vadd.s32 v25, v31;
	v23 =	vxor.u32 v34, v37;
	v24 =	vxor.u32 v24, v29;
	(xrf0) =	vadd.scan.msk.s32 $0xffff, v15  }
0x153: {  	vm1 =	veq.s32 v20, v12;
	v15 =	vshrl.u32 v23, $0x16;
	v34 =	vshrl.u32 v24, $0x16;
	v21, _, _ =	vpop (xrf0);
	[tilespmem:v30+s13+$0x0] =	vst.idx.msk vm9, v14  }
0x154: {  	v14 =	vmpcnt.ones.xlane vm4;
	vm8 =	veq.s32 v15, v12;
	v15 =	vsel vm1, $0x1, v1;
	[tilespmem:v28+s13+$0x0] =	vst.idx.msk vm3, v13  }
0x155: {  	s23 =	sadd.s32 $0xFFFFFFF0, s20;
	v29 =	vand.u32 $0x3FFFFF, v33;
	v16 =	vsel vm4, $0x1, v1;
	v20 =	vsel vm8, $0x1, v1;
	v13, _, _ =	vpop (xrf0);
	(xrf0) =	vadd.scan.msk.s32 $0xffff, v15  }
0x156: {  	s24 =	sadd.s32 $0xFFFFFFD0, s20;
	s25 =	sadd.s32 $0xFFFFFFE0, s20;
	v31 =	vadd.s32 v27, v14;
	v15 =	vadd.s32 v13, v26;
	v13 =	vor.u32 s23, v0;
	(xrf0) =	vadd.scan.msk.s32 $0xffff, v20  }
.Ltmp7:
0x157: {  	v14 =	vor.u32 s25, v0;
	s23 =	sadd.s32 $0xFFFFFFB0, s20;
	v30 =	vadd.s32 $0xFFFFFFFF, v15;
	v15 =	vor.u32 s24, v0;
	(xrf0) =	vadd.scan.msk.s32 $0xffff, v16;
	(pc) =	sbr.rel @p0 .LBB2_9-.Ltmp7, $4  }
0x158: {  	v20 =	vor.u32 s20, v0;
	v26 =	vor.u32 s23, v0;
	s23 =	sadd.s32 $0xFFFFFFC0, s20;
	v16 =	vand.u32 $0x3FFFFF, v32;
	v28, _, _ =	vpop (xrf0)  }
0x159: {  	vm3 =	veq.s32 v34, v12;
	v25 =	vadd.s32 v28, v25;
	v28 =	vor.u32 s23, v0  }
0x15a: {  	v37 =	vsel vm3, $0x1, v1;
	s24 =	sadd.s32 $0xFFFFFFA0, s20;
	s23 =	sadd.s32 $0xFFFFFF90, s20;
	v33 =	vadd.s32 $0xFFFFFFFF, v25;
	v25 =	vand.u32 $0x3FFFFF, v36  }
0x15b: {  	s22 =	sadd.s32 $0x80, s22;
	v32 =	vand.u32 $0x3FFFFF, v35;
	v34 =	vor.u32 s24, v0;
	v36 =	vor.u32 s23, v0;
	v35, _, _ =	vpop (xrf0);
	(xrf0) =	vadd.scan.msk.s32 $0xffff, v37  }
0x15c: {  	v12 =	vmpcnt.ones.xlane vm8  }
0x15d: {  	v37 =	vmpcnt.ones.xlane vm1  }
0x15e: {  	v12 =	vadd.s32 v31, v12  }
0x15f: {  	v38 =	vmpcnt.ones.xlane vm3;
	v37 =	vadd.s32 v12, v37  }
0x160: {  	v39 =	vmpcnt.ones.xlane vm5;
	v22 =	vadd.s32 v37, v22  }
0x161: {  	vm9 =	vlt.s32 v11, v0;
	v38 =	vadd.s32 v22, v38  }
0x162: {  	v10 =	vnsel vm9, $0x0, v10;
	v11 =	vadd.s32 v38, v39  }
0x163: {  	(xrf0) =	vadd.scan.msk.s32 $0xffff, v10;
	v10 =	vxor.u32 $0x80000000, v11  }
0x164: {  	(xrf0) =	vmax.scan.msk.u32 $0xffff, v10;
	_ =	sdelay $0x1  }
0x165: {  	v10, _, _ =	vpop (xrf0)  }
0x166: {  	v11, _, _ =	vpop (xrf0)  }
0x167: {  	v58, _, _ =	vpop (xrf0)  }
0x168: {  	v40, _, _ =	vpop (xrf0)  }
0x169: {  	(v2sf) =	vpush v40, $0xF;
	v59, _, _ =	vpop (xrf0)  }
0x16a: {  	(v2sf) =	vpush v59, $0xF;
	_ =	sdelay $0x5  }
0x16b: {  	vm15 =	vmmov vm5;
	v17 =	vadd.s32 v17, v38  }
0x16c: {  	v17 =	vadd.s32 $0xFFFFFFFF, v17  }
0x16d: {  	v19 =	vand.u32 $0x3FFFFF, v19;
	[tilespmem:v30+s12+$0x0] =	vst.idx.msk vm2, v29;
	v10 =	vadd.s32 v10, v31  }
0x16e: {  	[tilespmem:v33+s12+$0x0] =	vst.idx.msk vm7, v19;
	v10 =	vadd.s32 $0xFFFFFFFF, v10  }
0x16f: {  	[tilespmem:v30+s13+$0x0] =	vst.idx.msk vm2, v36;
	v11 =	vadd.s32 v11, v27  }
0x170: {  	[tilespmem:v33+s13+$0x0] =	vst.idx.msk vm7, v34;
	v11 =	vadd.s32 $0xFFFFFFFF, v11  }
0x171: {  	[tilespmem:v17+s12+$0x0] =	vst.idx.msk vm15, v25;
	v60 =	vadd.s32 v58, v22  }
0x172: {  	v61 =	vand.u32 $0x3FFFFF, v23;
	[tilespmem:v17+s13+$0x0] =	vst.idx.msk vm15, v20;
	v19 =	vadd.s32 $0xFFFFFFFF, v60  }
0x173: {  	v12 =	vadd.s32 v35, v12;
	[tilespmem:v10+s12+$0x0] =	vst.idx.msk vm8, v61;
	s20 =	spop (v2sf)  }
0x174: {  	[tilespmem:v10+s13+$0x0] =	vst.idx.msk vm8, v28;
	v10 =	vadd.s32 $0xFFFFFFFF, v12;
	s21 =	spop (v2sf)  }
0x175: {  	v21 =	vadd.s32 v21, v37;
	[tilespmem:v11+s12+$0x0] =	vst.idx.msk vm4, v32;
	s22 =	sadd.s32 $0x8000000F, s21  }
0x176: {  	v62 =	vand.u32 $0x3FFFFF, v24;
	[tilespmem:v11+s13+$0x0] =	vst.idx.msk vm4, v26;
	v11 =	vadd.s32 $0xFFFFFFFF, v21;
	s23 =	sand.u32 $0xF, s22  }
0x177: {  	[tilespmem:v19+s12+$0x0] =	vst.idx.msk vm3, v62;
	s31 =	sshra.s32 s22, $0x1F;
	p1 =	slt.s32 s22, $0x1;
	p0 =	sne.s32 s23, $0x0  }
.Ltmp8:
0x178: {  	v63 =	vand.u32 $0x3FFFFF, v18;
	[tilespmem:v19+s13+$0x0] =	vst.idx.msk vm3, v13;
	s23 =	sshrl.u32 s31, $0x1C;
	p0 =	por !p1, !p0;
	(pc) =	sbr.rel .LBB2_11-.Ltmp8, $4  }
0x179: {  	[tilespmem:v10+s12+$0x0] =	vst.idx.msk vm1, v63;
	s22 =	sadd.s32 s23, s22;
	s23 =	simm.s32 $0x1;
	p0 =	por !p0, !p0  }
0x17a: {  	[tilespmem:v10+s13+$0x0] =	vst.idx.msk vm1, v15;
	s19 =	sadd.s32 s20, s19;
	s22 =	sshra.s32 s22, $0x4;
	s23 =	simm.s32 @!p0 $0x0  }
0x17b: {  	[tilespmem:v11+s12+$0x0] =	vst.idx.msk vm6, v16;
	s20 =	ssub.s32 $0x100, s19;
	s21 =	sxor.u32 $0x80000000, s21;
	s19 =	ssub.s32 s22, s23  }
0x17c: {  	vm2 =	vmmov vm6;
	[tilespmem:v11+s13+$0x0] =	vst.idx.msk vm6, v14;
	v10 =	vmov s21;
	s22 =	simm.s32 $0x0;
	s23 =	simm.s32 $0x0;
	p0 =	slt.s32 s19, $0x1  }
.LBB2_12:
0x17d: {  	v11 =	vimm.s32 $0x80000000  }
.LBB2_18:
0x17e: {  	(xrf0) =	vmax.scan.msk.u32 $0xffff, v11;
	_ =	sdelay $0x5  }
0x17f: {  	v11, _, _ =	vpop (xrf0)  }
0x180: {  	(v2sf) =	vpush v11, $0xF;
	_ =	sdelay $0xe  }
0x181: {  	s24 =	spop (v2sf)  }
0x182: {  	s24 =	sxor.u32 $0x80000000, s24  }
0x183: {  	s23 =	sadd.s32 $0x1, s23;
	p1 =	slt.s32 s24, s20  }
0x184: {  	s21 =	smov.u32 @p1 s22;
	p1 =	seq.s32 s23, $0x16  }
.Ltmp9:
0x185: {  	_ = 	snop;
	(pc) =	sbr.rel @p1 .LBB2_13-.Ltmp9, $2  }
0x186: {  	_ =	sdelay $0x2  }
0x187: {  	s22 =	smov.u32 s21  }
.LBB2_11:
.Ltmp10:
0x188: {  	(pc) =	sbr.rel @p0 .LBB2_12-.Ltmp10, $3  }
0x189: {  	_ =	sdelay $0x1  }
0x18a: {  	s21 =	sshrl.u32 s14, s23  }
0x18b: {  	s21 =	sor.u32 s21, s22  }
0x18c: {  	s24 =	simm.s32 $0xC080  }
0x18d: {  	p1 =	sne.s32 s19, $0x1;
	v13 =	vld [tilespmem:s24+$0x0]  }
.Ltmp11:
0x18e: {  	_ = 	snop;
	(pc) =	sbr.rel @!p1 .LBB2_17-.Ltmp11, $4  }
0x18f: {  	_ = 	snop  }
0x190: {  	s24 =	simm.s32 $0x0  }
0x191: {  	v12 =	vmov s21;
	v14 =	vor.u32 s24, v0  }
0x192: {  	v11 =	vimm.s32 $0x0;
	s25 =	sadd.s32 $0xFFFFFFFF, s19;
	s26 =	simm.s32 $0xC090;
	vm1 =	vlt.s32 v14, v10;
	vm2 =	vge.s32 v13, v12  }
.LBB2_16:
0x193: {  	v13 =	vld [tilespmem:s26+$0x0];
	p1 =	sne.s32 s25, $0x1;
	s25 =	sadd.s32 $0xFFFFFFFF, s25;
	vm1 =	vmand vm1, vm2  }
.Ltmp12:
0x194: {  	v14 =	vmpcnt.ones.xlane vm1;
	(pc) =	sbr.rel @p1 .LBB2_16-.Ltmp12, $4  }
0x195: {  	_ = 	snop  }
0x196: {  	s24 =	sadd.s32 $0x10, s24;
	v11 =	vadd.s32 v11, v14  }
0x197: {  	v14 =	vor.u32 s24, v0  }
0x198: {  	s26 =	sadd.s32 $0x10, s26;
	vm1 =	vlt.s32 v14, v10;
	vm2 =	vge.s32 v13, v12  }
.LBB2_17:
.Ltmp13:
0x199: {  	vm1 =	vmand vm1, vm2;
	(pc) =	sbr.rel .LBB2_18-.Ltmp13, $3  }
0x19a: {  	v12 =	vmpcnt.ones.xlane vm1;
	_ =	sdelay $0x1  }
0x19b: {  	v11 =	vadd.s32 v11, v12  }
0x19c: {  	v11 =	vxor.u32 $0x80000000, v11  }
.LBB2_13:
0x19d: {  	v9 =	vxor.u32 $0x80000000, v9  }
0x19e: {  	(xrf0) =	vmax.scan.msk.u32 $0xffff, v9;
	_ =	sdelay $0x5  }
0x19f: {  	v9, _, _ =	vpop (xrf0)  }
0x1a0: {  	(v2sf) =	vpush v9, $0xF;
	_ =	sdelay $0xa  }
.Ltmp14:
0x1a1: {  	_ = 	snop;
	(pc) =	sbr.rel @p0 .LBB2_14-.Ltmp14, $2  }
0x1a2: {  	_ =	sdelay $0x2  }
0x1a3: {  	v9 =	vmov s21;
	s22 =	spop (v2sf)  }
0x1a4: {  	s24 =	simm.s32 $0xC080  }
0x1a5: {  	p1 =	sne.s32 s19, $0x1;
	v12 =	vld [tilespmem:s24+$0x0]  }
.Ltmp15:
0x1a6: {  	_ = 	snop;
	(pc) =	sbr.rel @!p1 .LBB2_21-.Ltmp15, $4  }
0x1a7: {  	_ = 	snop  }
0x1a8: {  	s23 =	simm.s32 $0x0  }
0x1a9: {  	v13 =	vor.u32 s23, v0  }
0x1aa: {  	v11 =	vimm.s32 $0x0;
	s25 =	simm.s32 $0xC090;
	s24 =	sadd.s32 $0xFFFFFFFF, s19;
	vm1 =	vlt.s32 v13, v10;
	vm2 =	vgt.s32 v12, v9  }
.LBB2_20:
0x1ab: {  	v12 =	vld [tilespmem:s25+$0x0];
	p1 =	sne.s32 s24, $0x1;
	s24 =	sadd.s32 $0xFFFFFFFF, s24;
	vm1 =	vmand vm1, vm2  }
.Ltmp16:
0x1ac: {  	v13 =	vmpcnt.ones.xlane vm1;
	(pc) =	sbr.rel @p1 .LBB2_20-.Ltmp16, $4  }
0x1ad: {  	_ = 	snop  }
0x1ae: {  	s23 =	sadd.s32 $0x10, s23;
	v11 =	vadd.s32 v11, v13  }
0x1af: {  	v13 =	vor.u32 s23, v0  }
0x1b0: {  	s25 =	sadd.s32 $0x10, s25;
	vm1 =	vlt.s32 v13, v10;
	vm2 =	vgt.s32 v12, v9  }
.LBB2_21:
.Ltmp17:
0x1b1: {  	vm1 =	vmand vm1, vm2;
	(pc) =	sbr.rel .LBB2_22-.Ltmp17, $3  }
0x1b2: {  	v12 =	vmpcnt.ones.xlane vm1;
	_ =	sdelay $0x1  }
0x1b3: {  	v11 =	vadd.s32 v11, v12  }
0x1b4: {  	v11 =	vxor.u32 $0x80000000, v11  }
.LBB2_14:
0x1b5: {  	v11 =	vimm.s32 $0x80000000  }
.LBB2_22:
0x1b6: {  	s18 =	sadd.s32 s18, s22  }
0x1b7: {  	s18 =	sshll.u32 s18, $0x16  }
0x1b8: {  	s18 =	sadd.s32 $0xFFC00000, s18  }
0x1b9: {  	s18 =	sor.u32 s18, s21  }
0x1ba: {  	s18 =	sxor.u32 $0x80000000, s18  }
0x1bb: {  	v12 =	vmov s18  }
0x1bc: {  	vm1 =	vlt.s32 v12, $0x0  }
0x1bd: {  	v12 =	vsel vm1, $0x7FFFFFFF, v1  }
0x1be: {  	v12 =	vxor.u32 s18, v12;
	s18 =	simm.s32 $0x40  }
0x1bf: {  	v16 =	vld [tilespmem:s18+$0x30]  }
0x1c0: {  	v19 =	vld [tilespmem:s18+$0xFFFFFFD0]  }
0x1c1: {  	v18 =	vld [tilespmem:s18+$0xFFFFFFE0]  }
0x1c2: {  	v12 =	vbroadcast v12, $0x0;
	v17 =	vld [tilespmem:s18+$0xFFFFFFF0]  }
0x1c3: {  	v15 =	vld [tilespmem:s18+$0x0]  }
0x1c4: {  	v14 =	vld [tilespmem:s18+$0x10];
	vm1 =	vge.f32 v16, v12  }
0x1c5: {  	v13 =	vld [tilespmem:s18+$0x20];
	vm2 =	vge.f32 v19, v12;
	v20 =	vnsel vm1, $0x0, v16  }
0x1c6: {  	s22 =	simm.s32 $0xC0;
	s21 =	simm.s32 $0x0;
	v16 =	vld [tilespmem:s18+$0xFFFFFFC0];
	v19 =	vnsel vm2, $0x0, v19;
	vm1 =	vge.f32 v18, v12;
	[tilespmem:s18+$0x30] =	vst v20  }
.LBB2_23:
0x1c7: {  	v20 =	vld [tilespmem:s22+$0x30];
	s21 =	sadd.s32 $0x8, s21;
	[tilespmem:s18+$0xFFFFFFD0] =	vst v19;
	v18 =	vnsel vm1, $0x0, v18;
	vm1 =	vge.f32 v17, v12  }
0x1c8: {  	v19 =	vld [tilespmem:s22+$0xFFFFFFD0];
	p1 =	slt.u32 s21, $0x7F8;
	[tilespmem:s18+$0xFFFFFFE0] =	vst v18;
	v17 =	vnsel vm1, $0x0, v17;
	vm1 =	vge.f32 v15, v12  }
0x1c9: {  	v18 =	vld [tilespmem:s22+$0xFFFFFFE0];
	[tilespmem:s18+$0xFFFFFFF0] =	vst v17;
	v15 =	vnsel vm1, $0x0, v15;
	vm1 =	vge.f32 v14, v12  }
.Ltmp18:
0x1ca: {  	v17 =	vld [tilespmem:s22+$0xFFFFFFF0];
	[tilespmem:s18+$0x0] =	vst v15;
	v14 =	vnsel vm1, $0x0, v14;
	vm1 =	vge.f32 v13, v12;
	(pc) =	sbr.rel @p1 .LBB2_23-.Ltmp18, $4  }
0x1cb: {  	v15 =	vld [tilespmem:s22+$0x0];
	vm2 =	vge.f32 v16, v12;
	[tilespmem:s18+$0x10] =	vst v14;
	v13 =	vnsel vm1, $0x0, v13  }
0x1cc: {  	v14 =	vld [tilespmem:s22+$0x10];
	vm1 =	vge.f32 v20, v12;
	v16 =	vnsel vm2, $0x0, v16;
	[tilespmem:s18+$0x20] =	vst v13  }
0x1cd: {  	vm2 =	vge.f32 v19, v12;
	v13 =	vld [tilespmem:s22+$0x20];
	v20 =	vnsel vm1, $0x0, v20;
	[tilespmem:s18+$0xFFFFFFC0] =	vst v16;
	s18 =	smov.u32 s22  }
0x1ce: {  	s22 =	sadd.s32 $0x80, s22;
	v16 =	vld [tilespmem:s18+$0xFFFFFFC0];
	v19 =	vnsel vm2, $0x0, v19;
	vm1 =	vge.f32 v18, v12;
	[tilespmem:s18+$0x30] =	vst v20  }
0x1cf: {  	[tilespmem:s18+$0xFFFFFFD0] =	vst v19;
	v18 =	vnsel vm1, $0x0, v18;
	vm1 =	vge.f32 v17, v12  }
0x1d0: {  	[tilespmem:s18+$0xFFFFFFE0] =	vst v18;
	v17 =	vnsel vm1, $0x0, v17;
	vm1 =	vge.f32 v15, v12  }
.Ltmp19:
0x1d1: {  	[tilespmem:s18+$0xFFFFFFF0] =	vst v17;
	v15 =	vnsel vm1, $0x0, v15;
	vm1 =	vge.f32 v14, v12;
	(pc) =	sbr.rel @p0 .LBB2_31-.Ltmp19, $4  }
0x1d2: {  	[tilespmem:s18+$0x0] =	vst v15;
	v14 =	vnsel vm1, $0x0, v14;
	vm1 =	vge.f32 v13, v12  }
0x1d3: {  	vm2 =	vge.f32 v16, v12;
	[tilespmem:s18+$0x10] =	vst v14;
	v62 =	vnsel vm1, $0x0, v13  }
0x1d4: {  	v63 =	vnsel vm2, $0x0, v16;
	[tilespmem:s18+$0x20] =	vst v62  }
0x1d5: {  	[tilespmem:s18+$0xFFFFFFC0] =	vst v63  }
0x1d6: {  	(xrf0) =	vmax.scan.msk.u32 $0xffff, v11;
	_ =	sdelay $0x5  }
0x1d7: {  	v11, _, _ =	vpop (xrf0)  }
0x1d8: {  	(v2sf) =	vpush v11, $0xF;
	_ =	sdelay $0xc  }
0x1d9: {  	p1 =	sne.s32 s19, $0x1  }
.Ltmp20:
0x1da: {  	_ = 	snop;
	(pc) =	sbr.rel @!p1 .LBB2_26-.Ltmp20, $4  }
0x1db: {  	s18 =	spop (v2sf)  }
0x1dc: {  	s21 =	simm.s32 $0xC080;
	s18 =	sxor.u32 $0x80000000, s18  }
0x1dd: {  	s19 =	sadd.s32 $0xFFFFFFFF, s19;
	v14 =	vld [tilespmem:s21+$0x0];
	s18 =	ssub.s32 s20, s18  }
0x1de: {  	v12 =	vimm.s32 $0x0;
	p0 =	por $0x0, $0x0;
	s20 =	simm.s32 $0x0;
	v11 =	vmov s18;
	s18 =	simm.s32 $0x14080  }
0x1df: {  	_ =	sdelay $0x1  }
0x1e0: {  	v13 =	vor.u32 s20, v0  }
0x1e1: {  	vm1 =	vlt.s32 v13, v10;
	vm2 =	veq.s32 v14, v9  }
0x1e2: {  	vm1 =	vmand vm1, vm2  }
0x1e3: {  	v13 =	vsel vm1, $0x1, v1  }
0x1e4: {  	(xrf0) =	vadd.scan.msk.s32 $0xffff, v13;
	_ =	sdelay $0x5  }
0x1e5: {  	v13, _, _ =	vpop (xrf0)  }
0x1e6: {  	v14 =	vld [tilespmem:s18+$0x0];
	v13 =	vadd.s32 v12, v13  }
0x1e7: {  	vm2 =	vgt.s32 v13, v11  }
0x1e8: {  	vm2 =	vmand vm1, vm2;
	_ =	sdelay $0x2  }
0x1e9: {  	p1 =	sne.s32 s19, $0x1  }
.Ltmp21:
0x1ea: {  	v13 =	vmpcnt.ones.xlane vm1;
	(pc) =	sbr.rel @!p1 .LBB2_28-.Ltmp21, $4  }
0x1eb: {  	_ = 	snop  }
0x1ec: {  	s22 =	simm.s32 $0xC090;
	[tilespmem:v14+s4+$0x0] =	vst.idx.msk vm2, v8  }
0x1ed: {  	s23 =	sadd.s32 $0xFFFFFFFF, s19;
	v12 =	vadd.s32 v12, v13;
	v14 =	vld [tilespmem:s22+$0x0]  }
0x1ee: {  	p0 =	por $0x1, $0x1;
	s21 =	simm.s32 $0x0;
	s19 =	simm.s32 $0x14080;
	v13 =	vmov v12  }
.LBB2_29:
0x1ef: {  	p1 =	sne.s32 s23, $0x1;
	_ =	sdelay $0x1  }
0x1f0: {  	s21 =	sadd.s32 $0x10, s21  }
0x1f1: {  	v15 =	vor.u32 s21, v0  }
0x1f2: {  	vm2 =	veq.s32 v14, v9;
	vm1 =	vlt.s32 v15, v10  }
0x1f3: {  	vm1 =	vmand vm1, vm2  }
0x1f4: {  	v14 =	vsel vm1, $0x1, v1;
	v15 =	vmpcnt.ones.xlane vm1  }
0x1f5: {  	(xrf0) =	vadd.scan.msk.s32 $0xffff, v14  }
0x1f6: {  	v13 =	vadd.s32 v13, v15;
	_ =	sdelay $0x4  }
0x1f7: {  	s19 =	sadd.s32 $0x10, s19;
	v14, _, _ =	vpop (xrf0)  }
0x1f8: {  	v15 =	vld [tilespmem:s19+$0x0];
	v14 =	vadd.s32 v12, v14;
	v12 =	vmov v13  }
0x1f9: {  	vm2 =	vgt.s32 v14, v11  }
0x1fa: {  	vm1 =	vmand vm1, vm2;
	_ =	sdelay $0x2  }
.Ltmp22:
0x1fb: {  	(pc) =	sbr.rel @p1 .LBB2_29-.Ltmp22, $3  }
0x1fc: {  	_ =	sdelay $0x1  }
0x1fd: {  	s22 =	sadd.s32 $0x10, s22;
	[tilespmem:v15+s4+$0x0] =	vst.idx.msk vm1, v8  }
0x1fe: {  	s23 =	sadd.s32 $0xFFFFFFFF, s23;
	v14 =	vld [tilespmem:s22+$0x0]  }
.Ltmp23:
0x1ff: {  	_ = 	snop;
	(pc) =	sbr.rel .LBB2_30-.Ltmp23, $1  }
0x200: {  	_ =	sdelay $0x3  }
.LBB2_28:
.Ltmp24:
0x201: {  	(pc) =	sbr.rel .LBB2_30-.Ltmp24, $2  }
0x202: {  	_ =	sdelay $0x2  }
0x203: {  	s21 =	simm.s32 $0x0;
	s19 =	simm.s32 $0x14080  }
.LBB2_33:
0x204: {  	_ =	sfence.sel $0x180000  }
0x205: {  	[bflag:$0x0] =	sbarrier.arrive $0xFFFF  }
0x206: {  	p0 =	sne.s32 s3, $0x0;
	_ =	strace $0x90000047  }
0x207: {  	s0 =	sadd.s32 @!p0 $0x100000, s0;
	[bflag:$0x2] =	sbarrier.arrive $0xFFFF  }
0x208: {  	[sflag:s0] =	ssyncadd.tile.s32 @!p0 $0x1;
	_ =	shalt  }
.Lfunc_end2:
_tile_overlayer_lowered:
.L_overlay_start_2:
0x209: {  	(tag) =	ssettag $0x2  }
0x20a: {  	s0 =	rddreg [dreg:$0x0];
	s2 =	stileid.u32  }
0x20b: {  	s1 =	rddreg [dreg:$0x1];
	p0 =	sne.s32 s2, $0x0  }
0x20c: {  	s3 =	rddreg [dreg:$0x2];
	[bflag:$0x3] =	sbarrier.arrive $0xFFFF;
	s2 =	simm.s32 @!p0 $0x1C01  }
0x20d: {  	[timem:s3], [sflag:s2] =	dma.local @!p0 [hbm:s0], s1  }
0x20e: {  	s0 =	simm.s32 @!p0 $0x1  }
0x20f: {  	_ =	swait.ge @!p0 [sflag:s0], s1  }
0x210: {  	s1 =	ssub.s32 @!p0 $0x0, s1;
	[sflag:s0] =	ssyncset.done @!p0 $0x0  }
0x211: {  	[sflag:s0] =	ssyncadd.s32 @!p0 s1  }
0x212: {  	[bflag:$0x3] =	sbarrier.arrive $0xFFFF  }
0x213: {  	_ =	shalt  }

</sc_bundles>
